<compile_context>
chip_gen: v7x
topology: tpu7x:2x2x1
jax: 0.10.2.dev20260603
libtpu: 0.0.44.dev20260713+nightly
codegen_flags: <defaults>
</compile_context>

<pallas_src>
import functools

import jax
import jax.numpy as jnp
from jax import lax
from jax.experimental import pallas as pl
from jax.experimental.pallas import tpu as pltpu
from jax.experimental.pallas import tpu_sc as plsc

N_FINE = 100000
N_COARSE = 50000
IN_CH = 256
SKIP_CH = 128
OUT_CH = 256

NUM_CORES = 2
NUM_SUBCORES = 16
NUM_WORKERS = NUM_CORES * NUM_SUBCORES

CHUNK = 80
PARTS = (20000, 40000, 40000)


def _make_sc_gather(n_rows):
    n_chunks = n_rows // CHUNK
    slots = -(-n_chunks // NUM_WORKERS)
    slots += slots % 2

    def body(idx_hbm, down_hbm, out_hbm, idx_all, rows0, rows1,
             sem_g0, sem_g1, sem_w0, sem_w1):
        wid = lax.axis_index("s") * NUM_CORES + lax.axis_index("c")

        def gather(i, rows, sem):
            return pltpu.make_async_copy(down_hbm.at[idx_all.at[i]], rows, sem)

        def writeback(i, rows, sem):
            c = wid + i * NUM_WORKERS
            dst = out_hbm.at[pl.ds(c * CHUNK, CHUNK)]
            return pltpu.make_async_copy(rows, dst, sem)

        def valid(i):
            return wid + i * NUM_WORKERS < n_chunks

        pltpu.sync_copy(idx_hbm.at[:, wid], idx_all)
        gather(0, rows0, sem_g0).start()

        def step(t, carry):
            i = 2 * t
            gather(i, rows0, sem_g0).wait()
            writeback(i, rows0, sem_w0).start()

            @pl.when(valid(i + 1))
            def _():
                @pl.when(t > 0)
                def _():
                    writeback(i - 1, rows1, sem_w1).wait()

                gather(i + 1, rows1, sem_g1).start()

            @pl.when(valid(i + 1))
            def _():
                gather(i + 1, rows1, sem_g1).wait()
                writeback(i + 1, rows1, sem_w1).start()

            @pl.when(valid(i + 2))
            def _():
                writeback(i, rows0, sem_w0).wait()
                gather(i + 2, rows0, sem_g0).start()

            return carry

        lax.fori_loop(0, slots // 2, step, 0)

        writeback(0, rows0, sem_w0).wait()
        writeback(0, rows1, sem_w1).wait()

    gather_fn = pl.kernel(
        body,
        out_type=jax.ShapeDtypeStruct((n_rows, IN_CH), jnp.float32),
        mesh=plsc.VectorSubcoreMesh(core_axis_name="c", subcore_axis_name="s"),
        scratch_types=[
            pltpu.VMEM((slots, CHUNK), jnp.int32),
            pltpu.VMEM((CHUNK, IN_CH), jnp.float32),
            pltpu.VMEM((CHUNK, IN_CH), jnp.float32),
            pltpu.SemaphoreType.DMA,
            pltpu.SemaphoreType.DMA,
            pltpu.SemaphoreType.DMA,
            pltpu.SemaphoreType.DMA,
        ],
    )

    def run(buffers_part, down):
        pad = slots * NUM_WORKERS * CHUNK - n_rows
        idx = jnp.pad(buffers_part, (0, pad)).reshape(slots, NUM_WORKERS, CHUNK)
        return gather_fn(idx, down)

    return run


_sc_gathers = tuple(_make_sc_gather(n) for n in PARTS)


def _tc_fused_body(res_ref, gat_ref, wskip_ref, wproj_ref, bias_ref, out_ref):
    out_ref[...] = (
        jnp.dot(res_ref[...], wskip_ref[...], preferred_element_type=jnp.float32)
        + jnp.dot(gat_ref[...], wproj_ref[...], preferred_element_type=jnp.float32)
        + bias_ref[...]
    )


def _tc_fused_body2(res_ref, gat_ref, wskip_ref, wproj_ref, bias_ref, part_ref,
                    out_ref):
    del part_ref
    _tc_fused_body(res_ref, gat_ref, wskip_ref, wproj_ref, bias_ref, out_ref)


ROWS_BLK = 5000

_W_SPECS = [
    pl.BlockSpec((SKIP_CH, OUT_CH), lambda i: (0, 0)),
    pl.BlockSpec((IN_CH, OUT_CH), lambda i: (0, 0)),
    pl.BlockSpec((1, OUT_CH), lambda i: (0, 0)),
]


def _make_tc(n_rows, row_off, aliased):
    grid = n_rows // ROWS_BLK
    off = row_off // ROWS_BLK
    in_specs = [
        pl.BlockSpec((ROWS_BLK, SKIP_CH), lambda i, o=off: (i + o, 0)),
        pl.BlockSpec((ROWS_BLK, IN_CH), lambda i: (i, 0)),
        *_W_SPECS,
    ]
    if aliased:
        in_specs.append(pl.BlockSpec(memory_space=pl.ANY))
    return pl.pallas_call(
        _tc_fused_body2 if aliased else _tc_fused_body,
        grid=(grid,),
        in_specs=in_specs,
        out_specs=pl.BlockSpec((ROWS_BLK, OUT_CH), lambda i, o=off: (i + o, 0)),
        out_shape=jax.ShapeDtypeStruct((N_FINE, OUT_CH), jnp.float32),
        input_output_aliases={5: 0} if aliased else {},
    )


_ROW_OFFS = tuple(sum(PARTS[:k]) for k in range(len(PARTS)))
_tc_parts = tuple(
    _make_tc(n, o, k > 0) for k, (n, o) in enumerate(zip(PARTS, _ROW_OFFS))
)


def kernel(residual, down, buffers, W_proj, b_proj, W_skip, b_skip):
    bias = (b_proj + b_skip).reshape(1, OUT_CH)
    parts = [
        run(lax.dynamic_slice_in_dim(buffers, o, n), down)
        for run, n, o in zip(_sc_gathers, PARTS, _ROW_OFFS)
    ]
    out = _tc_parts[0](residual, parts[0], W_skip, W_proj, bias)
    for k in range(1, len(PARTS)):
        out = _tc_parts[k](residual, parts[k], W_skip, W_proj, bias, out)
    return out

# --- scband reference (transcript-rebuilt; emitter-appended) ---
"""Pipeline reference for scband-additive-unpooling-wrapper-12627203851175 (READ-ONLY COPY).

The authoritative reference and input builder live on the scoring server;
editing this copy changes nothing except your own understanding.
"""

import jax, jax.numpy as jnp
import numpy as np

N_FINE = 100000
N_COARSE = 50000
IN_CH = 256
SKIP_CH = 128
OUT_CH = 256


def setup_inputs(seed: int = 0) -> dict:
    key = jax.random.key(seed)
    k1, k2, k3, k4, k5, k6, k7 = jax.random.split(key, 7)
    residual = jax.random.normal(k1, (N_FINE, SKIP_CH), dtype=jnp.float32)
    down = jax.random.normal(k2, (N_COARSE, IN_CH), dtype=jnp.float32)
    # SubbuckBuffers reduced to its essential content: for each fine point,
    # the index of the coarse bucket it belongs to.
    buffers = jax.random.randint(k3, (N_FINE,), 0, N_COARSE, dtype=jnp.int32)
    # Learned parameters of the two Linear projections (in_features, out_features layout).
    W_proj = jax.random.normal(k4, (IN_CH, OUT_CH), dtype=jnp.float32) * (1.0 / np.sqrt(IN_CH))
    b_proj = jax.random.normal(k5, (OUT_CH,), dtype=jnp.float32) * 0.01
    W_skip = jax.random.normal(k6, (SKIP_CH, OUT_CH), dtype=jnp.float32) * (1.0 / np.sqrt(SKIP_CH))
    b_skip = jax.random.normal(k7, (OUT_CH,), dtype=jnp.float32) * 0.01
    return {
        'residual': residual,
        'down': down,
        'buffers': buffers,
        'W_proj': W_proj,
        'b_proj': b_proj,
        'W_skip': W_skip,
        'b_skip': b_skip,
    }


def reference(residual, down, buffers, W_proj, b_proj, W_skip, b_skip):
    # proj on downsampled features
    proj_down = down @ W_proj + b_proj
    # proj on skip/residual features
    proj_skip = residual @ W_skip + b_skip
    # Additive unpooling: broadcast each coarse bucket feature to its
    # subbucket members (gather by bucket index) and add to the skip path.
    unpooled = jnp.take(proj_down, buffers, axis=0)
    output = proj_skip + unpooled
    return output

if __name__ == "__main__":
    import jax
    _d = setup_inputs()
    print(jax.jit(kernel)(*tuple(_d.values())))

</pallas_src>

<mosaic_0001>
#map = affine_map<(d0, d1) -> (0, 0, 0)>
#map1 = affine_map<(d0, d1) -> (0, 0)>
module attributes {stable_mosaic.version = 14 : i64} {
  func.func @body(%arg0: i32, %arg1: i32, %arg2: memref<8x32x80xi32, #tpu.memory_space<hbm>>, %arg3: memref<50000x256xf32, #tpu.memory_space<hbm>>, %arg4: memref<20000x256xf32, #tpu.memory_space<hbm>>, %arg5: memref<8x80xi32, #tpu.memory_space<vmem>>, %arg6: memref<80x256xf32, #tpu.memory_space<vmem>>, %arg7: memref<80x256xf32, #tpu.memory_space<vmem>>, %arg8: memref<!tpu.dma_semaphore, #tpu.memory_space<semaphore_mem>>, %arg9: memref<!tpu.dma_semaphore, #tpu.memory_space<semaphore_mem>>, %arg10: memref<!tpu.dma_semaphore, #tpu.memory_space<semaphore_mem>>, %arg11: memref<!tpu.dma_semaphore, #tpu.memory_space<semaphore_mem>>) attributes {dimension_semantics = [#tpu.dimension_semantics<core_parallel>, #tpu.dimension_semantics<subcore_parallel>], iteration_bounds = array<i64: 2, 16>, scalar_prefetch = 0 : i64, scratch_operands = 7 : i64, tpu.core_type = #tpu.core_type<sc_vector_subcore>, window_params = [{transform_indices = #map}, {transform_indices = #map1}, {transform_indices = #map1}]} {
    %mul3A = arith.constant 2 : i32
    %mul3A_0 = arith.muli %arg1, %mul3A : i32
    %add3A = arith.addi %mul3A_0, %arg0 : i32
    "tpu.region"() ({
      %run_scoped3A = tpu.sem_alloc : memref<!tpu.dma_semaphore, #tpu.memory_space<semaphore_mem>>
      %dma_start3A_27 = arith.constant 0 : i32
      %dma_start3A_28 = arith.constant 0 : i32
      %dma_start3A_29 = tpu.memref_slice %arg2[%dma_start3A_27, %add3A, %dma_start3A_28] : memref<8x32x80xi32, #tpu.memory_space<hbm>> -> memref<8x1x80xi32, #tpu.memory_space<hbm>>
      %dma_start3A_30 = tpu.memref_squeeze %dma_start3A_29 : memref<8x1x80xi32, #tpu.memory_space<hbm>> -> memref<8x80xi32, #tpu.memory_space<hbm>>
      %dma_start3A_31 = arith.constant 0 : i32
      %dma_start3A_32 = arith.constant 0 : i32
      %dma_start3A_33 = tpu.memref_slice %arg2[%dma_start3A_31, %add3A, %dma_start3A_32] : memref<8x32x80xi32, #tpu.memory_space<hbm>> -> memref<8x1x80xi32, #tpu.memory_space<hbm>>
      %dma_start3A_34 = tpu.memref_squeeze %dma_start3A_33 : memref<8x1x80xi32, #tpu.memory_space<hbm>> -> memref<8x80xi32, #tpu.memory_space<hbm>>
      tpu.enqueue_dma source(%dma_start3A_34 : memref<8x80xi32, #tpu.memory_space<hbm>>) target(%arg5 : memref<8x80xi32, #tpu.memory_space<vmem>>) target_semaphore(%run_scoped3A : memref<!tpu.dma_semaphore, #tpu.memory_space<semaphore_mem>>)
      %dma_wait3A_35 = arith.constant 0 : i32
      %dma_wait3A_36 = arith.constant 0 : i32
      %dma_wait3A_37 = tpu.memref_slice %arg2[%dma_wait3A_35, %add3A, %dma_wait3A_36] : memref<8x32x80xi32, #tpu.memory_space<hbm>> -> memref<8x1x80xi32, #tpu.memory_space<hbm>>
      %dma_wait3A_38 = tpu.memref_squeeze %dma_wait3A_37 : memref<8x1x80xi32, #tpu.memory_space<hbm>> -> memref<8x80xi32, #tpu.memory_space<hbm>>
      %dma_wait3A_39 = arith.constant 0 : i32
      %dma_wait3A_40 = arith.constant 0 : i32
      %dma_wait3A_41 = tpu.memref_slice %arg2[%dma_wait3A_39, %add3A, %dma_wait3A_40] : memref<8x32x80xi32, #tpu.memory_space<hbm>> -> memref<8x1x80xi32, #tpu.memory_space<hbm>>
      %dma_wait3A_42 = tpu.memref_squeeze %dma_wait3A_41 : memref<8x1x80xi32, #tpu.memory_space<hbm>> -> memref<8x80xi32, #tpu.memory_space<hbm>>
      tpu.wait_dma2 semaphore(%run_scoped3A : memref<!tpu.dma_semaphore, #tpu.memory_space<semaphore_mem>>) src(%dma_wait3A_42 : memref<8x80xi32, #tpu.memory_space<hbm>>) dst(%arg5 : memref<8x80xi32, #tpu.memory_space<vmem>>)
      tpu.yield
    }) : () -> ()
    %dma_start3A = arith.constant 0 : i32
    %dma_start3A_1 = arith.constant 0 : i32
    %dma_start3A_2 = tpu.memref_slice %arg5[%dma_start3A, %dma_start3A_1] : memref<8x80xi32, #tpu.memory_space<vmem>> -> memref<1x80xi32, #tpu.memory_space<vmem>>
    %dma_start3A_3 = tpu.memref_squeeze %dma_start3A_2 : memref<1x80xi32, #tpu.memory_space<vmem>> -> memref<80xi32, #tpu.memory_space<vmem>>
    %dma_start3A_4 = arith.constant 0 : i32
    %dma_start3A_5 = arith.constant 0 : i32
    %dma_start3A_6 = tpu.memref_slice %arg3[%dma_start3A_4, %dma_start3A_5] : memref<50000x256xf32, #tpu.memory_space<hbm>> -> memref<50000x256xf32, #tpu.memory_space<hbm>>
    tpu.enqueue_indirect_dma source(%dma_start3A_6 : memref<50000x256xf32, #tpu.memory_space<hbm>>) target(%arg6 : memref<80x256xf32, #tpu.memory_space<vmem>>) offsets(%dma_start3A_3 : memref<80xi32, #tpu.memory_space<vmem>>) semaphore(%arg8 : memref<!tpu.dma_semaphore, #tpu.memory_space<semaphore_mem>>)
    %scan3A = arith.constant 0 : i32
    %scan3A_7 = arith.constant 0 : i32
    %scan3A_8 = arith.constant 4 : i32
    %scan3A_9 = arith.addi %scan3A_7, %scan3A_8 : i32
    %scan3A_10 = arith.constant 1 : i32
    scf.for %scan3A_27 = %scan3A_7 to %scan3A_9 step %scan3A_10  : i32 {
      %mul3A_28 = arith.constant 2 : i32
      %mul3A_29 = arith.muli %mul3A_28, %scan3A_27 : i32
      %dma_wait3A_30 = arith.constant 0 : i32
      %dma_wait3A_31 = tpu.memref_slice %arg5[%mul3A_29, %dma_wait3A_30] : memref<8x80xi32, #tpu.memory_space<vmem>> -> memref<1x80xi32, #tpu.memory_space<vmem>>
      %dma_wait3A_32 = tpu.memref_squeeze %dma_wait3A_31 : memref<1x80xi32, #tpu.memory_space<vmem>> -> memref<80xi32, #tpu.memory_space<vmem>>
      %dma_wait3A_33 = arith.constant 0 : i32
      %dma_wait3A_34 = arith.constant 0 : i32
      %dma_wait3A_35 = tpu.memref_slice %arg3[%dma_wait3A_33, %dma_wait3A_34] : memref<50000x256xf32, #tpu.memory_space<hbm>> -> memref<50000x256xf32, #tpu.memory_space<hbm>>
      tpu.wait_indirect_dma semaphore(%arg8 : memref<!tpu.dma_semaphore, #tpu.memory_space<semaphore_mem>>) src(%dma_wait3A_35 : memref<50000x256xf32, #tpu.memory_space<hbm>>) dst(%arg6 : memref<80x256xf32, #tpu.memory_space<vmem>>)
      %mul3A_36 = arith.constant 32 : i32
      %mul3A_37 = arith.muli %mul3A_29, %mul3A_36 : i32
      %add3A_38 = arith.addi %add3A, %mul3A_37 : i32
      %mul3A_39 = arith.constant 80 : i32
      %mul3A_40 = arith.muli %add3A_38, %mul3A_39 : i32
      %dma_start3A_41 = arith.constant 0 : i32
      %dma_start3A_42 = tpu.memref_slice %arg4[%mul3A_40, %dma_start3A_41] : memref<20000x256xf32, #tpu.memory_space<hbm>> -> memref<80x256xf32, #tpu.memory_space<hbm>>
      %dma_start3A_43 = arith.constant 0 : i32
      %dma_start3A_44 = tpu.memref_slice %arg4[%mul3A_40, %dma_start3A_43] : memref<20000x256xf32, #tpu.memory_space<hbm>> -> memref<80x256xf32, #tpu.memory_space<hbm>>
      tpu.enqueue_dma source(%arg6 : memref<80x256xf32, #tpu.memory_space<vmem>>) target(%dma_start3A_44 : memref<80x256xf32, #tpu.memory_space<hbm>>) target_semaphore(%arg10 : memref<!tpu.dma_semaphore, #tpu.memory_space<semaphore_mem>>)
      %add3A_45 = arith.constant 1 : i32
      %add3A_46 = arith.addi %mul3A_29, %add3A_45 : i32
      %mul3A_47 = arith.constant 32 : i32
      %mul3A_48 = arith.muli %add3A_46, %mul3A_47 : i32
      %add3A_49 = arith.addi %add3A, %mul3A_48 : i32
      %lt3A = arith.constant 250 : i32
      %lt3A_50 = arith.cmpi slt, %add3A_49, %lt3A : i32
      %convert_element_type3A = arith.extui %lt3A_50 : i1 to i32
      %cond3A = arith.constant 0 : i32
      %cond3A_51 = arith.cmpi ne, %convert_element_type3A, %cond3A : i32
      scf.if %cond3A_51 {
        %gt3A = arith.constant 0 : i32
        %gt3A_72 = arith.cmpi sgt, %scan3A_27, %gt3A : i32
        %convert_element_type3A_73 = arith.extui %gt3A_72 : i1 to i32
        %cond3A_74 = arith.constant 0 : i32
        %cond3A_75 = arith.cmpi ne, %convert_element_type3A_73, %cond3A_74 : i32
        scf.if %cond3A_75 {
          %sub3A = arith.constant 1 : i32
          %sub3A_84 = arith.subi %mul3A_29, %sub3A : i32
          %mul3A_85 = arith.constant 32 : i32
          %mul3A_86 = arith.muli %sub3A_84, %mul3A_85 : i32
          %add3A_87 = arith.addi %add3A, %mul3A_86 : i32
          %mul3A_88 = arith.constant 80 : i32
          %mul3A_89 = arith.muli %add3A_87, %mul3A_88 : i32
          %dma_wait3A_90 = arith.constant 0 : i32
          %dma_wait3A_91 = tpu.memref_slice %arg4[%mul3A_89, %dma_wait3A_90] : memref<20000x256xf32, #tpu.memory_space<hbm>> -> memref<80x256xf32, #tpu.memory_space<hbm>>
          %dma_wait3A_92 = arith.constant 0 : i32
          %dma_wait3A_93 = tpu.memref_slice %arg4[%mul3A_89, %dma_wait3A_92] : memref<20000x256xf32, #tpu.memory_space<hbm>> -> memref<80x256xf32, #tpu.memory_space<hbm>>
          tpu.wait_dma2 semaphore(%arg11 : memref<!tpu.dma_semaphore, #tpu.memory_space<semaphore_mem>>) src(%arg7 : memref<80x256xf32, #tpu.memory_space<vmem>>) dst(%dma_wait3A_93 : memref<80x256xf32, #tpu.memory_space<hbm>>)
        } else {
        }
        %add3A_76 = arith.constant 1 : i32
        %add3A_77 = arith.addi %mul3A_29, %add3A_76 : i32
        %dma_start3A_78 = arith.constant 0 : i32
        %dma_start3A_79 = tpu.memref_slice %arg5[%add3A_77, %dma_start3A_78] : memref<8x80xi32, #tpu.memory_space<vmem>> -> memref<1x80xi32, #tpu.memory_space<vmem>>
        %dma_start3A_80 = tpu.memref_squeeze %dma_start3A_79 : memref<1x80xi32, #tpu.memory_space<vmem>> -> memref<80xi32, #tpu.memory_space<vmem>>
        %dma_start3A_81 = arith.constant 0 : i32
        %dma_start3A_82 = arith.constant 0 : i32
        %dma_start3A_83 = tpu.memref_slice %arg3[%dma_start3A_81, %dma_start3A_82] : memref<50000x256xf32, #tpu.memory_space<hbm>> -> memref<50000x256xf32, #tpu.memory_space<hbm>>
        tpu.enqueue_indirect_dma source(%dma_start3A_83 : memref<50000x256xf32, #tpu.memory_space<hbm>>) target(%arg7 : memref<80x256xf32, #tpu.memory_space<vmem>>) offsets(%dma_start3A_80 : memref<80xi32, #tpu.memory_space<vmem>>) semaphore(%arg9 : memref<!tpu.dma_semaphore, #tpu.memory_space<semaphore_mem>>)
      } else {
      }
      %add3A_52 = arith.constant 1 : i32
      %add3A_53 = arith.addi %mul3A_29, %add3A_52 : i32
      %mul3A_54 = arith.constant 32 : i32
      %mul3A_55 = arith.muli %add3A_53, %mul3A_54 : i32
      %add3A_56 = arith.addi %add3A, %mul3A_55 : i32
      %lt3A_57 = arith.constant 250 : i32
      %lt3A_58 = arith.cmpi slt, %add3A_56, %lt3A_57 : i32
      %convert_element_type3A_59 = arith.extui %lt3A_58 : i1 to i32
      %cond3A_60 = arith.constant 0 : i32
      %cond3A_61 = arith.cmpi ne, %convert_element_type3A_59, %cond3A_60 : i32
      scf.if %cond3A_61 {
        %add3A_72 = arith.constant 1 : i32
        %add3A_73 = arith.addi %mul3A_29, %add3A_72 : i32
        %dma_wait3A_74 = arith.constant 0 : i32
        %dma_wait3A_75 = tpu.memref_slice %arg5[%add3A_73, %dma_wait3A_74] : memref<8x80xi32, #tpu.memory_space<vmem>> -> memref<1x80xi32, #tpu.memory_space<vmem>>
        %dma_wait3A_76 = tpu.memref_squeeze %dma_wait3A_75 : memref<1x80xi32, #tpu.memory_space<vmem>> -> memref<80xi32, #tpu.memory_space<vmem>>
        %dma_wait3A_77 = arith.constant 0 : i32
        %dma_wait3A_78 = arith.constant 0 : i32
        %dma_wait3A_79 = tpu.memref_slice %arg3[%dma_wait3A_77, %dma_wait3A_78] : memref<50000x256xf32, #tpu.memory_space<hbm>> -> memref<50000x256xf32, #tpu.memory_space<hbm>>
        tpu.wait_indirect_dma semaphore(%arg9 : memref<!tpu.dma_semaphore, #tpu.memory_space<semaphore_mem>>) src(%dma_wait3A_79 : memref<50000x256xf32, #tpu.memory_space<hbm>>) dst(%arg7 : memref<80x256xf32, #tpu.memory_space<vmem>>)
        %add3A_80 = arith.constant 1 : i32
        %add3A_81 = arith.addi %mul3A_29, %add3A_80 : i32
        %mul3A_82 = arith.constant 32 : i32
        %mul3A_83 = arith.muli %add3A_81, %mul3A_82 : i32
        %add3A_84 = arith.addi %add3A, %mul3A_83 : i32
        %mul3A_85 = arith.constant 80 : i32
        %mul3A_86 = arith.muli %add3A_84, %mul3A_85 : i32
        %dma_start3A_87 = arith.constant 0 : i32
        %dma_start3A_88 = tpu.memref_slice %arg4[%mul3A_86, %dma_start3A_87] : memref<20000x256xf32, #tpu.memory_space<hbm>> -> memref<80x256xf32, #tpu.memory_space<hbm>>
        %dma_start3A_89 = arith.constant 0 : i32
        %dma_start3A_90 = tpu.memref_slice %arg4[%mul3A_86, %dma_start3A_89] : memref<20000x256xf32, #tpu.memory_space<hbm>> -> memref<80x256xf32, #tpu.memory_space<hbm>>
        tpu.enqueue_dma source(%arg7 : memref<80x256xf32, #tpu.memory_space<vmem>>) target(%dma_start3A_90 : memref<80x256xf32, #tpu.memory_space<hbm>>) target_semaphore(%arg11 : memref<!tpu.dma_semaphore, #tpu.memory_space<semaphore_mem>>)
      } else {
      }
      %add3A_62 = arith.constant 2 : i32
      %add3A_63 = arith.addi %mul3A_29, %add3A_62 : i32
      %mul3A_64 = arith.constant 32 : i32
      %mul3A_65 = arith.muli %add3A_63, %mul3A_64 : i32
      %add3A_66 = arith.addi %add3A, %mul3A_65 : i32
      %lt3A_67 = arith.constant 250 : i32
      %lt3A_68 = arith.cmpi slt, %add3A_66, %lt3A_67 : i32
      %convert_element_type3A_69 = arith.extui %lt3A_68 : i1 to i32
      %cond3A_70 = arith.constant 0 : i32
      %cond3A_71 = arith.cmpi ne, %convert_element_type3A_69, %cond3A_70 : i32
      scf.if %cond3A_71 {
        %mul3A_72 = arith.constant 32 : i32
        %mul3A_73 = arith.muli %mul3A_29, %mul3A_72 : i32
        %add3A_74 = arith.addi %add3A, %mul3A_73 : i32
        %mul3A_75 = arith.constant 80 : i32
        %mul3A_76 = arith.muli %add3A_74, %mul3A_75 : i32
        %dma_wait3A_77 = arith.constant 0 : i32
        %dma_wait3A_78 = tpu.memref_slice %arg4[%mul3A_76, %dma_wait3A_77] : memref<20000x256xf32, #tpu.memory_space<hbm>> -> memref<80x256xf32, #tpu.memory_space<hbm>>
        %dma_wait3A_79 = arith.constant 0 : i32
        %dma_wait3A_80 = tpu.memref_slice %arg4[%mul3A_76, %dma_wait3A_79] : memref<20000x256xf32, #tpu.memory_space<hbm>> -> memref<80x256xf32, #tpu.memory_space<hbm>>
        tpu.wait_dma2 semaphore(%arg10 : memref<!tpu.dma_semaphore, #tpu.memory_space<semaphore_mem>>) src(%arg6 : memref<80x256xf32, #tpu.memory_space<vmem>>) dst(%dma_wait3A_80 : memref<80x256xf32, #tpu.memory_space<hbm>>)
        %add3A_81 = arith.constant 2 : i32
        %add3A_82 = arith.addi %mul3A_29, %add3A_81 : i32
        %dma_start3A_83 = arith.constant 0 : i32
        %dma_start3A_84 = tpu.memref_slice %arg5[%add3A_82, %dma_start3A_83] : memref<8x80xi32, #tpu.memory_space<vmem>> -> memref<1x80xi32, #tpu.memory_space<vmem>>
        %dma_start3A_85 = tpu.memref_squeeze %dma_start3A_84 : memref<1x80xi32, #tpu.memory_space<vmem>> -> memref<80xi32, #tpu.memory_space<vmem>>
        %dma_start3A_86 = arith.constant 0 : i32
        %dma_start3A_87 = arith.constant 0 : i32
        %dma_start3A_88 = tpu.memref_slice %arg3[%dma_start3A_86, %dma_start3A_87] : memref<50000x256xf32, #tpu.memory_space<hbm>> -> memref<50000x256xf32, #tpu.memory_space<hbm>>
        tpu.enqueue_indirect_dma source(%dma_start3A_88 : memref<50000x256xf32, #tpu.memory_space<hbm>>) target(%arg6 : memref<80x256xf32, #tpu.memory_space<vmem>>) offsets(%dma_start3A_85 : memref<80xi32, #tpu.memory_space<vmem>>) semaphore(%arg8 : memref<!tpu.dma_semaphore, #tpu.memory_space<semaphore_mem>>)
      } else {
      }
    }
    %scan3A_11 = arith.constant 4 : i32
    %add3A_12 = arith.constant 0 : i32
    %add3A_13 = arith.addi %add3A, %add3A_12 : i32
    %mul3A_14 = arith.constant 80 : i32
    %mul3A_15 = arith.muli %add3A_13, %mul3A_14 : i32
    %dma_wait3A = arith.constant 0 : i32
    %dma_wait3A_16 = tpu.memref_slice %arg4[%mul3A_15, %dma_wait3A] : memref<20000x256xf32, #tpu.memory_space<hbm>> -> memref<80x256xf32, #tpu.memory_space<hbm>>
    %dma_wait3A_17 = arith.constant 0 : i32
    %dma_wait3A_18 = tpu.memref_slice %arg4[%mul3A_15, %dma_wait3A_17] : memref<20000x256xf32, #tpu.memory_space<hbm>> -> memref<80x256xf32, #tpu.memory_space<hbm>>
    tpu.wait_dma2 semaphore(%arg10 : memref<!tpu.dma_semaphore, #tpu.memory_space<semaphore_mem>>) src(%arg6 : memref<80x256xf32, #tpu.memory_space<vmem>>) dst(%dma_wait3A_18 : memref<80x256xf32, #tpu.memory_space<hbm>>)
    %add3A_19 = arith.constant 0 : i32
    %add3A_20 = arith.addi %add3A, %add3A_19 : i32
    %mul3A_21 = arith.constant 80 : i32
    %mul3A_22 = arith.muli %add3A_20, %mul3A_21 : i32
    %dma_wait3A_23 = arith.constant 0 : i32
    %dma_wait3A_24 = tpu.memref_slice %arg4[%mul3A_22, %dma_wait3A_23] : memref<20000x256xf32, #tpu.memory_space<hbm>> -> memref<80x256xf32, #tpu.memory_space<hbm>>
    %dma_wait3A_25 = arith.constant 0 : i32
    %dma_wait3A_26 = tpu.memref_slice %arg4[%mul3A_22, %dma_wait3A_25] : memref<20000x256xf32, #tpu.memory_space<hbm>> -> memref<80x256xf32, #tpu.memory_space<hbm>>
    tpu.wait_dma2 semaphore(%arg11 : memref<!tpu.dma_semaphore, #tpu.memory_space<semaphore_mem>>) src(%arg7 : memref<80x256xf32, #tpu.memory_space<vmem>>) dst(%dma_wait3A_26 : memref<80x256xf32, #tpu.memory_space<hbm>>)
    return
  }
}

#map = affine_map<(d0, d1) -> (0, 0, 0)>
#map1 = affine_map<(d0, d1) -> (0, 0)>
module attributes {stable_mosaic.version = 14 : i64} {
  func.func @body(%arg0: i32, %arg1: i32, %arg2: memref<16x32x80xi32, #tpu.memory_space<hbm>>, %arg3: memref<50000x256xf32, #tpu.memory_space<hbm>>, %arg4: memref<40000x256xf32, #tpu.memory_space<hbm>>, %arg5: memref<16x80xi32, #tpu.memory_space<vmem>>, %arg6: memref<80x256xf32, #tpu.memory_space<vmem>>, %arg7: memref<80x256xf32, #tpu.memory_space<vmem>>, %arg8: memref<!tpu.dma_semaphore, #tpu.memory_space<semaphore_mem>>, %arg9: memref<!tpu.dma_semaphore, #tpu.memory_space<semaphore_mem>>, %arg10: memref<!tpu.dma_semaphore, #tpu.memory_space<semaphore_mem>>, %arg11: memref<!tpu.dma_semaphore, #tpu.memory_space<semaphore_mem>>) attributes {dimension_semantics = [#tpu.dimension_semantics<core_parallel>, #tpu.dimension_semantics<subcore_parallel>], iteration_bounds = array<i64: 2, 16>, scalar_prefetch = 0 : i64, scratch_operands = 7 : i64, tpu.core_type = #tpu.core_type<sc_vector_subcore>, window_params = [{transform_indices = #map}, {transform_indices = #map1}, {transform_indices = #map1}]} {
    %mul3A = arith.constant 2 : i32
    %mul3A_0 = arith.muli %arg1, %mul3A : i32
    %add3A = arith.addi %mul3A_0, %arg0 : i32
    "tpu.region"() ({
      %run_scoped3A = tpu.sem_alloc : memref<!tpu.dma_semaphore, #tpu.memory_space<semaphore_mem>>
      %dma_start3A_27 = arith.constant 0 : i32
      %dma_start3A_28 = arith.constant 0 : i32
      %dma_start3A_29 = tpu.memref_slice %arg2[%dma_start3A_27, %add3A, %dma_start3A_28] : memref<16x32x80xi32, #tpu.memory_space<hbm>> -> memref<16x1x80xi32, #tpu.memory_space<hbm>>
      %dma_start3A_30 = tpu.memref_squeeze %dma_start3A_29 : memref<16x1x80xi32, #tpu.memory_space<hbm>> -> memref<16x80xi32, #tpu.memory_space<hbm>>
      %dma_start3A_31 = arith.constant 0 : i32
      %dma_start3A_32 = arith.constant 0 : i32
      %dma_start3A_33 = tpu.memref_slice %arg2[%dma_start3A_31, %add3A, %dma_start3A_32] : memref<16x32x80xi32, #tpu.memory_space<hbm>> -> memref<16x1x80xi32, #tpu.memory_space<hbm>>
      %dma_start3A_34 = tpu.memref_squeeze %dma_start3A_33 : memref<16x1x80xi32, #tpu.memory_space<hbm>> -> memref<16x80xi32, #tpu.memory_space<hbm>>
      tpu.enqueue_dma source(%dma_start3A_34 : memref<16x80xi32, #tpu.memory_space<hbm>>) target(%arg5 : memref<16x80xi32, #tpu.memory_space<vmem>>) target_semaphore(%run_scoped3A : memref<!tpu.dma_semaphore, #tpu.memory_space<semaphore_mem>>)
      %dma_wait3A_35 = arith.constant 0 : i32
      %dma_wait3A_36 = arith.constant 0 : i32
      %dma_wait3A_37 = tpu.memref_slice %arg2[%dma_wait3A_35, %add3A, %dma_wait3A_36] : memref<16x32x80xi32, #tpu.memory_space<hbm>> -> memref<16x1x80xi32, #tpu.memory_space<hbm>>
      %dma_wait3A_38 = tpu.memref_squeeze %dma_wait3A_37 : memref<16x1x80xi32, #tpu.memory_space<hbm>> -> memref<16x80xi32, #tpu.memory_space<hbm>>
      %dma_wait3A_39 = arith.constant 0 : i32
      %dma_wait3A_40 = arith.constant 0 : i32
      %dma_wait3A_41 = tpu.memref_slice %arg2[%dma_wait3A_39, %add3A, %dma_wait3A_40] : memref<16x32x80xi32, #tpu.memory_space<hbm>> -> memref<16x1x80xi32, #tpu.memory_space<hbm>>
      %dma_wait3A_42 = tpu.memref_squeeze %dma_wait3A_41 : memref<16x1x80xi32, #tpu.memory_space<hbm>> -> memref<16x80xi32, #tpu.memory_space<hbm>>
      tpu.wait_dma2 semaphore(%run_scoped3A : memref<!tpu.dma_semaphore, #tpu.memory_space<semaphore_mem>>) src(%dma_wait3A_42 : memref<16x80xi32, #tpu.memory_space<hbm>>) dst(%arg5 : memref<16x80xi32, #tpu.memory_space<vmem>>)
      tpu.yield
    }) : () -> ()
    %dma_start3A = arith.constant 0 : i32
    %dma_start3A_1 = arith.constant 0 : i32
    %dma_start3A_2 = tpu.memref_slice %arg5[%dma_start3A, %dma_start3A_1] : memref<16x80xi32, #tpu.memory_space<vmem>> -> memref<1x80xi32, #tpu.memory_space<vmem>>
    %dma_start3A_3 = tpu.memref_squeeze %dma_start3A_2 : memref<1x80xi32, #tpu.memory_space<vmem>> -> memref<80xi32, #tpu.memory_space<vmem>>
    %dma_start3A_4 = arith.constant 0 : i32
    %dma_start3A_5 = arith.constant 0 : i32
    %dma_start3A_6 = tpu.memref_slice %arg3[%dma_start3A_4, %dma_start3A_5] : memref<50000x256xf32, #tpu.memory_space<hbm>> -> memref<50000x256xf32, #tpu.memory_space<hbm>>
    tpu.enqueue_indirect_dma source(%dma_start3A_6 : memref<50000x256xf32, #tpu.memory_space<hbm>>) target(%arg6 : memref<80x256xf32, #tpu.memory_space<vmem>>) offsets(%dma_start3A_3 : memref<80xi32, #tpu.memory_space<vmem>>) semaphore(%arg8 : memref<!tpu.dma_semaphore, #tpu.memory_space<semaphore_mem>>)
    %scan3A = arith.constant 0 : i32
    %scan3A_7 = arith.constant 0 : i32
    %scan3A_8 = arith.constant 8 : i32
    %scan3A_9 = arith.addi %scan3A_7, %scan3A_8 : i32
    %scan3A_10 = arith.constant 1 : i32
    scf.for %scan3A_27 = %scan3A_7 to %scan3A_9 step %scan3A_10  : i32 {
      %mul3A_28 = arith.constant 2 : i32
      %mul3A_29 = arith.muli %mul3A_28, %scan3A_27 : i32
      %dma_wait3A_30 = arith.constant 0 : i32
      %dma_wait3A_31 = tpu.memref_slice %arg5[%mul3A_29, %dma_wait3A_30] : memref<16x80xi32, #tpu.memory_space<vmem>> -> memref<1x80xi32, #tpu.memory_space<vmem>>
      %dma_wait3A_32 = tpu.memref_squeeze %dma_wait3A_31 : memref<1x80xi32, #tpu.memory_space<vmem>> -> memref<80xi32, #tpu.memory_space<vmem>>
      %dma_wait3A_33 = arith.constant 0 : i32
      %dma_wait3A_34 = arith.constant 0 : i32
      %dma_wait3A_35 = tpu.memref_slice %arg3[%dma_wait3A_33, %dma_wait3A_34] : memref<50000x256xf32, #tpu.memory_space<hbm>> -> memref<50000x256xf32, #tpu.memory_space<hbm>>
      tpu.wait_indirect_dma semaphore(%arg8 : memref<!tpu.dma_semaphore, #tpu.memory_space<semaphore_mem>>) src(%dma_wait3A_35 : memref<50000x256xf32, #tpu.memory_space<hbm>>) dst(%arg6 : memref<80x256xf32, #tpu.memory_space<vmem>>)
      %mul3A_36 = arith.constant 32 : i32
      %mul3A_37 = arith.muli %mul3A_29, %mul3A_36 : i32
      %add3A_38 = arith.addi %add3A, %mul3A_37 : i32
      %mul3A_39 = arith.constant 80 : i32
      %mul3A_40 = arith.muli %add3A_38, %mul3A_39 : i32
      %dma_start3A_41 = arith.constant 0 : i32
      %dma_start3A_42 = tpu.memref_slice %arg4[%mul3A_40, %dma_start3A_41] : memref<40000x256xf32, #tpu.memory_space<hbm>> -> memref<80x256xf32, #tpu.memory_space<hbm>>
      %dma_start3A_43 = arith.constant 0 : i32
      %dma_start3A_44 = tpu.memref_slice %arg4[%mul3A_40, %dma_start3A_43] : memref<40000x256xf32, #tpu.memory_space<hbm>> -> memref<80x256xf32, #tpu.memory_space<hbm>>
      tpu.enqueue_dma source(%arg6 : memref<80x256xf32, #tpu.memory_space<vmem>>) target(%dma_start3A_44 : memref<80x256xf32, #tpu.memory_space<hbm>>) target_semaphore(%arg10 : memref<!tpu.dma_semaphore, #tpu.memory_space<semaphore_mem>>)
      %add3A_45 = arith.constant 1 : i32
      %add3A_46 = arith.addi %mul3A_29, %add3A_45 : i32
      %mul3A_47 = arith.constant 32 : i32
      %mul3A_48 = arith.muli %add3A_46, %mul3A_47 : i32
      %add3A_49 = arith.addi %add3A, %mul3A_48 : i32
      %lt3A = arith.constant 500 : i32
      %lt3A_50 = arith.cmpi slt, %add3A_49, %lt3A : i32
      %convert_element_type3A = arith.extui %lt3A_50 : i1 to i32
      %cond3A = arith.constant 0 : i32
      %cond3A_51 = arith.cmpi ne, %convert_element_type3A, %cond3A : i32
      scf.if %cond3A_51 {
        %gt3A = arith.constant 0 : i32
        %gt3A_72 = arith.cmpi sgt, %scan3A_27, %gt3A : i32
        %convert_element_type3A_73 = arith.extui %gt3A_72 : i1 to i32
        %cond3A_74 = arith.constant 0 : i32
        %cond3A_75 = arith.cmpi ne, %convert_element_type3A_73, %cond3A_74 : i32
        scf.if %cond3A_75 {
          %sub3A = arith.constant 1 : i32
          %sub3A_84 = arith.subi %mul3A_29, %sub3A : i32
          %mul3A_85 = arith.constant 32 : i32
          %mul3A_86 = arith.muli %sub3A_84, %mul3A_85 : i32
          %add3A_87 = arith.addi %add3A, %mul3A_86 : i32
          %mul3A_88 = arith.constant 80 : i32
          %mul3A_89 = arith.muli %add3A_87, %mul3A_88 : i32
          %dma_wait3A_90 = arith.constant 0 : i32
          %dma_wait3A_91 = tpu.memref_slice %arg4[%mul3A_89, %dma_wait3A_90] : memref<40000x256xf32, #tpu.memory_space<hbm>> -> memref<80x256xf32, #tpu.memory_space<hbm>>
          %dma_wait3A_92 = arith.constant 0 : i32
          %dma_wait3A_93 = tpu.memref_slice %arg4[%mul3A_89, %dma_wait3A_92] : memref<40000x256xf32, #tpu.memory_space<hbm>> -> memref<80x256xf32, #tpu.memory_space<hbm>>
          tpu.wait_dma2 semaphore(%arg11 : memref<!tpu.dma_semaphore, #tpu.memory_space<semaphore_mem>>) src(%arg7 : memref<80x256xf32, #tpu.memory_space<vmem>>) dst(%dma_wait3A_93 : memref<80x256xf32, #tpu.memory_space<hbm>>)
        } else {
        }
        %add3A_76 = arith.constant 1 : i32
        %add3A_77 = arith.addi %mul3A_29, %add3A_76 : i32
        %dma_start3A_78 = arith.constant 0 : i32
        %dma_start3A_79 = tpu.memref_slice %arg5[%add3A_77, %dma_start3A_78] : memref<16x80xi32, #tpu.memory_space<vmem>> -> memref<1x80xi32, #tpu.memory_space<vmem>>
        %dma_start3A_80 = tpu.memref_squeeze %dma_start3A_79 : memref<1x80xi32, #tpu.memory_space<vmem>> -> memref<80xi32, #tpu.memory_space<vmem>>
        %dma_start3A_81 = arith.constant 0 : i32
        %dma_start3A_82 = arith.constant 0 : i32
        %dma_start3A_83 = tpu.memref_slice %arg3[%dma_start3A_81, %dma_start3A_82] : memref<50000x256xf32, #tpu.memory_space<hbm>> -> memref<50000x256xf32, #tpu.memory_space<hbm>>
        tpu.enqueue_indirect_dma source(%dma_start3A_83 : memref<50000x256xf32, #tpu.memory_space<hbm>>) target(%arg7 : memref<80x256xf32, #tpu.memory_space<vmem>>) offsets(%dma_start3A_80 : memref<80xi32, #tpu.memory_space<vmem>>) semaphore(%arg9 : memref<!tpu.dma_semaphore, #tpu.memory_space<semaphore_mem>>)
      } else {
      }
      %add3A_52 = arith.constant 1 : i32
      %add3A_53 = arith.addi %mul3A_29, %add3A_52 : i32
      %mul3A_54 = arith.constant 32 : i32
      %mul3A_55 = arith.muli %add3A_53, %mul3A_54 : i32
      %add3A_56 = arith.addi %add3A, %mul3A_55 : i32
      %lt3A_57 = arith.constant 500 : i32
      %lt3A_58 = arith.cmpi slt, %add3A_56, %lt3A_57 : i32
      %convert_element_type3A_59 = arith.extui %lt3A_58 : i1 to i32
      %cond3A_60 = arith.constant 0 : i32
      %cond3A_61 = arith.cmpi ne, %convert_element_type3A_59, %cond3A_60 : i32
      scf.if %cond3A_61 {
        %add3A_72 = arith.constant 1 : i32
        %add3A_73 = arith.addi %mul3A_29, %add3A_72 : i32
        %dma_wait3A_74 = arith.constant 0 : i32
        %dma_wait3A_75 = tpu.memref_slice %arg5[%add3A_73, %dma_wait3A_74] : memref<16x80xi32, #tpu.memory_space<vmem>> -> memref<1x80xi32, #tpu.memory_space<vmem>>
        %dma_wait3A_76 = tpu.memref_squeeze %dma_wait3A_75 : memref<1x80xi32, #tpu.memory_space<vmem>> -> memref<80xi32, #tpu.memory_space<vmem>>
        %dma_wait3A_77 = arith.constant 0 : i32
        %dma_wait3A_78 = arith.constant 0 : i32
        %dma_wait3A_79 = tpu.memref_slice %arg3[%dma_wait3A_77, %dma_wait3A_78] : memref<50000x256xf32, #tpu.memory_space<hbm>> -> memref<50000x256xf32, #tpu.memory_space<hbm>>
        tpu.wait_indirect_dma semaphore(%arg9 : memref<!tpu.dma_semaphore, #tpu.memory_space<semaphore_mem>>) src(%dma_wait3A_79 : memref<50000x256xf32, #tpu.memory_space<hbm>>) dst(%arg7 : memref<80x256xf32, #tpu.memory_space<vmem>>)
        %add3A_80 = arith.constant 1 : i32
        %add3A_81 = arith.addi %mul3A_29, %add3A_80 : i32
        %mul3A_82 = arith.constant 32 : i32
        %mul3A_83 = arith.muli %add3A_81, %mul3A_82 : i32
        %add3A_84 = arith.addi %add3A, %mul3A_83 : i32
        %mul3A_85 = arith.constant 80 : i32
        %mul3A_86 = arith.muli %add3A_84, %mul3A_85 : i32
        %dma_start3A_87 = arith.constant 0 : i32
        %dma_start3A_88 = tpu.memref_slice %arg4[%mul3A_86, %dma_start3A_87] : memref<40000x256xf32, #tpu.memory_space<hbm>> -> memref<80x256xf32, #tpu.memory_space<hbm>>
        %dma_start3A_89 = arith.constant 0 : i32
        %dma_start3A_90 = tpu.memref_slice %arg4[%mul3A_86, %dma_start3A_89] : memref<40000x256xf32, #tpu.memory_space<hbm>> -> memref<80x256xf32, #tpu.memory_space<hbm>>
        tpu.enqueue_dma source(%arg7 : memref<80x256xf32, #tpu.memory_space<vmem>>) target(%dma_start3A_90 : memref<80x256xf32, #tpu.memory_space<hbm>>) target_semaphore(%arg11 : memref<!tpu.dma_semaphore, #tpu.memory_space<semaphore_mem>>)
      } else {
      }
      %add3A_62 = arith.constant 2 : i32
      %add3A_63 = arith.addi %mul3A_29, %add3A_62 : i32
      %mul3A_64 = arith.constant 32 : i32
      %mul3A_65 = arith.muli %add3A_63, %mul3A_64 : i32
      %add3A_66 = arith.addi %add3A, %mul3A_65 : i32
      %lt3A_67 = arith.constant 500 : i32
      %lt3A_68 = arith.cmpi slt, %add3A_66, %lt3A_67 : i32
      %convert_element_type3A_69 = arith.extui %lt3A_68 : i1 to i32
      %cond3A_70 = arith.constant 0 : i32
      %cond3A_71 = arith.cmpi ne, %convert_element_type3A_69, %cond3A_70 : i32
      scf.if %cond3A_71 {
        %mul3A_72 = arith.constant 32 : i32
        %mul3A_73 = arith.muli %mul3A_29, %mul3A_72 : i32
        %add3A_74 = arith.addi %add3A, %mul3A_73 : i32
        %mul3A_75 = arith.constant 80 : i32
        %mul3A_76 = arith.muli %add3A_74, %mul3A_75 : i32
        %dma_wait3A_77 = arith.constant 0 : i32
        %dma_wait3A_78 = tpu.memref_slice %arg4[%mul3A_76, %dma_wait3A_77] : memref<40000x256xf32, #tpu.memory_space<hbm>> -> memref<80x256xf32, #tpu.memory_space<hbm>>
        %dma_wait3A_79 = arith.constant 0 : i32
        %dma_wait3A_80 = tpu.memref_slice %arg4[%mul3A_76, %dma_wait3A_79] : memref<40000x256xf32, #tpu.memory_space<hbm>> -> memref<80x256xf32, #tpu.memory_space<hbm>>
        tpu.wait_dma2 semaphore(%arg10 : memref<!tpu.dma_semaphore, #tpu.memory_space<semaphore_mem>>) src(%arg6 : memref<80x256xf32, #tpu.memory_space<vmem>>) dst(%dma_wait3A_80 : memref<80x256xf32, #tpu.memory_space<hbm>>)
        %add3A_81 = arith.constant 2 : i32
        %add3A_82 = arith.addi %mul3A_29, %add3A_81 : i32
        %dma_start3A_83 = arith.constant 0 : i32
        %dma_start3A_84 = tpu.memref_slice %arg5[%add3A_82, %dma_start3A_83] : memref<16x80xi32, #tpu.memory_space<vmem>> -> memref<1x80xi32, #tpu.memory_space<vmem>>
        %dma_start3A_85 = tpu.memref_squeeze %dma_start3A_84 : memref<1x80xi32, #tpu.memory_space<vmem>> -> memref<80xi32, #tpu.memory_space<vmem>>
        %dma_start3A_86 = arith.constant 0 : i32
        %dma_start3A_87 = arith.constant 0 : i32
        %dma_start3A_88 = tpu.memref_slice %arg3[%dma_start3A_86, %dma_start3A_87] : memref<50000x256xf32, #tpu.memory_space<hbm>> -> memref<50000x256xf32, #tpu.memory_space<hbm>>
        tpu.enqueue_indirect_dma source(%dma_start3A_88 : memref<50000x256xf32, #tpu.memory_space<hbm>>) target(%arg6 : memref<80x256xf32, #tpu.memory_space<vmem>>) offsets(%dma_start3A_85 : memref<80xi32, #tpu.memory_space<vmem>>) semaphore(%arg8 : memref<!tpu.dma_semaphore, #tpu.memory_space<semaphore_mem>>)
      } else {
      }
    }
    %scan3A_11 = arith.constant 8 : i32
    %add3A_12 = arith.constant 0 : i32
    %add3A_13 = arith.addi %add3A, %add3A_12 : i32
    %mul3A_14 = arith.constant 80 : i32
    %mul3A_15 = arith.muli %add3A_13, %mul3A_14 : i32
    %dma_wait3A = arith.constant 0 : i32
    %dma_wait3A_16 = tpu.memref_slice %arg4[%mul3A_15, %dma_wait3A] : memref<40000x256xf32, #tpu.memory_space<hbm>> -> memref<80x256xf32, #tpu.memory_space<hbm>>
    %dma_wait3A_17 = arith.constant 0 : i32
    %dma_wait3A_18 = tpu.memref_slice %arg4[%mul3A_15, %dma_wait3A_17] : memref<40000x256xf32, #tpu.memory_space<hbm>> -> memref<80x256xf32, #tpu.memory_space<hbm>>
    tpu.wait_dma2 semaphore(%arg10 : memref<!tpu.dma_semaphore, #tpu.memory_space<semaphore_mem>>) src(%arg6 : memref<80x256xf32, #tpu.memory_space<vmem>>) dst(%dma_wait3A_18 : memref<80x256xf32, #tpu.memory_space<hbm>>)
    %add3A_19 = arith.constant 0 : i32
    %add3A_20 = arith.addi %add3A, %add3A_19 : i32
    %mul3A_21 = arith.constant 80 : i32
    %mul3A_22 = arith.muli %add3A_20, %mul3A_21 : i32
    %dma_wait3A_23 = arith.constant 0 : i32
    %dma_wait3A_24 = tpu.memref_slice %arg4[%mul3A_22, %dma_wait3A_23] : memref<40000x256xf32, #tpu.memory_space<hbm>> -> memref<80x256xf32, #tpu.memory_space<hbm>>
    %dma_wait3A_25 = arith.constant 0 : i32
    %dma_wait3A_26 = tpu.memref_slice %arg4[%mul3A_22, %dma_wait3A_25] : memref<40000x256xf32, #tpu.memory_space<hbm>> -> memref<80x256xf32, #tpu.memory_space<hbm>>
    tpu.wait_dma2 semaphore(%arg11 : memref<!tpu.dma_semaphore, #tpu.memory_space<semaphore_mem>>) src(%arg7 : memref<80x256xf32, #tpu.memory_space<vmem>>) dst(%dma_wait3A_26 : memref<80x256xf32, #tpu.memory_space<hbm>>)
    return
  }
}

#map = affine_map<(d0, d1) -> (0, 0, 0)>
#map1 = affine_map<(d0, d1) -> (0, 0)>
module attributes {stable_mosaic.version = 14 : i64} {
  func.func @body(%arg0: i32, %arg1: i32, %arg2: memref<16x32x80xi32, #tpu.memory_space<hbm>>, %arg3: memref<50000x256xf32, #tpu.memory_space<hbm>>, %arg4: memref<40000x256xf32, #tpu.memory_space<hbm>>, %arg5: memref<16x80xi32, #tpu.memory_space<vmem>>, %arg6: memref<80x256xf32, #tpu.memory_space<vmem>>, %arg7: memref<80x256xf32, #tpu.memory_space<vmem>>, %arg8: memref<!tpu.dma_semaphore, #tpu.memory_space<semaphore_mem>>, %arg9: memref<!tpu.dma_semaphore, #tpu.memory_space<semaphore_mem>>, %arg10: memref<!tpu.dma_semaphore, #tpu.memory_space<semaphore_mem>>, %arg11: memref<!tpu.dma_semaphore, #tpu.memory_space<semaphore_mem>>) attributes {dimension_semantics = [#tpu.dimension_semantics<core_parallel>, #tpu.dimension_semantics<subcore_parallel>], iteration_bounds = array<i64: 2, 16>, scalar_prefetch = 0 : i64, scratch_operands = 7 : i64, tpu.core_type = #tpu.core_type<sc_vector_subcore>, window_params = [{transform_indices = #map}, {transform_indices = #map1}, {transform_indices = #map1}]} {
    %mul3A = arith.constant 2 : i32
    %mul3A_0 = arith.muli %arg1, %mul3A : i32
    %add3A = arith.addi %mul3A_0, %arg0 : i32
    "tpu.region"() ({
      %run_scoped3A = tpu.sem_alloc : memref<!tpu.dma_semaphore, #tpu.memory_space<semaphore_mem>>
      %dma_start3A_27 = arith.constant 0 : i32
      %dma_start3A_28 = arith.constant 0 : i32
      %dma_start3A_29 = tpu.memref_slice %arg2[%dma_start3A_27, %add3A, %dma_start3A_28] : memref<16x32x80xi32, #tpu.memory_space<hbm>> -> memref<16x1x80xi32, #tpu.memory_space<hbm>>
      %dma_start3A_30 = tpu.memref_squeeze %dma_start3A_29 : memref<16x1x80xi32, #tpu.memory_space<hbm>> -> memref<16x80xi32, #tpu.memory_space<hbm>>
      %dma_start3A_31 = arith.constant 0 : i32
      %dma_start3A_32 = arith.constant 0 : i32
      %dma_start3A_33 = tpu.memref_slice %arg2[%dma_start3A_31, %add3A, %dma_start3A_32] : memref<16x32x80xi32, #tpu.memory_space<hbm>> -> memref<16x1x80xi32, #tpu.memory_space<hbm>>
      %dma_start3A_34 = tpu.memref_squeeze %dma_start3A_33 : memref<16x1x80xi32, #tpu.memory_space<hbm>> -> memref<16x80xi32, #tpu.memory_space<hbm>>
      tpu.enqueue_dma source(%dma_start3A_34 : memref<16x80xi32, #tpu.memory_space<hbm>>) target(%arg5 : memref<16x80xi32, #tpu.memory_space<vmem>>) target_semaphore(%run_scoped3A : memref<!tpu.dma_semaphore, #tpu.memory_space<semaphore_mem>>)
      %dma_wait3A_35 = arith.constant 0 : i32
      %dma_wait3A_36 = arith.constant 0 : i32
      %dma_wait3A_37 = tpu.memref_slice %arg2[%dma_wait3A_35, %add3A, %dma_wait3A_36] : memref<16x32x80xi32, #tpu.memory_space<hbm>> -> memref<16x1x80xi32, #tpu.memory_space<hbm>>
      %dma_wait3A_38 = tpu.memref_squeeze %dma_wait3A_37 : memref<16x1x80xi32, #tpu.memory_space<hbm>> -> memref<16x80xi32, #tpu.memory_space<hbm>>
      %dma_wait3A_39 = arith.constant 0 : i32
      %dma_wait3A_40 = arith.constant 0 : i32
      %dma_wait3A_41 = tpu.memref_slice %arg2[%dma_wait3A_39, %add3A, %dma_wait3A_40] : memref<16x32x80xi32, #tpu.memory_space<hbm>> -> memref<16x1x80xi32, #tpu.memory_space<hbm>>
      %dma_wait3A_42 = tpu.memref_squeeze %dma_wait3A_41 : memref<16x1x80xi32, #tpu.memory_space<hbm>> -> memref<16x80xi32, #tpu.memory_space<hbm>>
      tpu.wait_dma2 semaphore(%run_scoped3A : memref<!tpu.dma_semaphore, #tpu.memory_space<semaphore_mem>>) src(%dma_wait3A_42 : memref<16x80xi32, #tpu.memory_space<hbm>>) dst(%arg5 : memref<16x80xi32, #tpu.memory_space<vmem>>)
      tpu.yield
    }) : () -> ()
    %dma_start3A = arith.constant 0 : i32
    %dma_start3A_1 = arith.constant 0 : i32
    %dma_start3A_2 = tpu.memref_slice %arg5[%dma_start3A, %dma_start3A_1] : memref<16x80xi32, #tpu.memory_space<vmem>> -> memref<1x80xi32, #tpu.memory_space<vmem>>
    %dma_start3A_3 = tpu.memref_squeeze %dma_start3A_2 : memref<1x80xi32, #tpu.memory_space<vmem>> -> memref<80xi32, #tpu.memory_space<vmem>>
    %dma_start3A_4 = arith.constant 0 : i32
    %dma_start3A_5 = arith.constant 0 : i32
    %dma_start3A_6 = tpu.memref_slice %arg3[%dma_start3A_4, %dma_start3A_5] : memref<50000x256xf32, #tpu.memory_space<hbm>> -> memref<50000x256xf32, #tpu.memory_space<hbm>>
    tpu.enqueue_indirect_dma source(%dma_start3A_6 : memref<50000x256xf32, #tpu.memory_space<hbm>>) target(%arg6 : memref<80x256xf32, #tpu.memory_space<vmem>>) offsets(%dma_start3A_3 : memref<80xi32, #tpu.memory_space<vmem>>) semaphore(%arg8 : memref<!tpu.dma_semaphore, #tpu.memory_space<semaphore_mem>>)
    %scan3A = arith.constant 0 : i32
    %scan3A_7 = arith.constant 0 : i32
    %scan3A_8 = arith.constant 8 : i32
    %scan3A_9 = arith.addi %scan3A_7, %scan3A_8 : i32
    %scan3A_10 = arith.constant 1 : i32
    scf.for %scan3A_27 = %scan3A_7 to %scan3A_9 step %scan3A_10  : i32 {
      %mul3A_28 = arith.constant 2 : i32
      %mul3A_29 = arith.muli %mul3A_28, %scan3A_27 : i32
      %dma_wait3A_30 = arith.constant 0 : i32
      %dma_wait3A_31 = tpu.memref_slice %arg5[%mul3A_29, %dma_wait3A_30] : memref<16x80xi32, #tpu.memory_space<vmem>> -> memref<1x80xi32, #tpu.memory_space<vmem>>
      %dma_wait3A_32 = tpu.memref_squeeze %dma_wait3A_31 : memref<1x80xi32, #tpu.memory_space<vmem>> -> memref<80xi32, #tpu.memory_space<vmem>>
      %dma_wait3A_33 = arith.constant 0 : i32
      %dma_wait3A_34 = arith.constant 0 : i32
      %dma_wait3A_35 = tpu.memref_slice %arg3[%dma_wait3A_33, %dma_wait3A_34] : memref<50000x256xf32, #tpu.memory_space<hbm>> -> memref<50000x256xf32, #tpu.memory_space<hbm>>
      tpu.wait_indirect_dma semaphore(%arg8 : memref<!tpu.dma_semaphore, #tpu.memory_space<semaphore_mem>>) src(%dma_wait3A_35 : memref<50000x256xf32, #tpu.memory_space<hbm>>) dst(%arg6 : memref<80x256xf32, #tpu.memory_space<vmem>>)
      %mul3A_36 = arith.constant 32 : i32
      %mul3A_37 = arith.muli %mul3A_29, %mul3A_36 : i32
      %add3A_38 = arith.addi %add3A, %mul3A_37 : i32
      %mul3A_39 = arith.constant 80 : i32
      %mul3A_40 = arith.muli %add3A_38, %mul3A_39 : i32
      %dma_start3A_41 = arith.constant 0 : i32
      %dma_start3A_42 = tpu.memref_slice %arg4[%mul3A_40, %dma_start3A_41] : memref<40000x256xf32, #tpu.memory_space<hbm>> -> memref<80x256xf32, #tpu.memory_space<hbm>>
      %dma_start3A_43 = arith.constant 0 : i32
      %dma_start3A_44 = tpu.memref_slice %arg4[%mul3A_40, %dma_start3A_43] : memref<40000x256xf32, #tpu.memory_space<hbm>> -> memref<80x256xf32, #tpu.memory_space<hbm>>
      tpu.enqueue_dma source(%arg6 : memref<80x256xf32, #tpu.memory_space<vmem>>) target(%dma_start3A_44 : memref<80x256xf32, #tpu.memory_space<hbm>>) target_semaphore(%arg10 : memref<!tpu.dma_semaphore, #tpu.memory_space<semaphore_mem>>)
      %add3A_45 = arith.constant 1 : i32
      %add3A_46 = arith.addi %mul3A_29, %add3A_45 : i32
      %mul3A_47 = arith.constant 32 : i32
      %mul3A_48 = arith.muli %add3A_46, %mul3A_47 : i32
      %add3A_49 = arith.addi %add3A, %mul3A_48 : i32
      %lt3A = arith.constant 500 : i32
      %lt3A_50 = arith.cmpi slt, %add3A_49, %lt3A : i32
      %convert_element_type3A = arith.extui %lt3A_50 : i1 to i32
      %cond3A = arith.constant 0 : i32
      %cond3A_51 = arith.cmpi ne, %convert_element_type3A, %cond3A : i32
      scf.if %cond3A_51 {
        %gt3A = arith.constant 0 : i32
        %gt3A_72 = arith.cmpi sgt, %scan3A_27, %gt3A : i32
        %convert_element_type3A_73 = arith.extui %gt3A_72 : i1 to i32
        %cond3A_74 = arith.constant 0 : i32
        %cond3A_75 = arith.cmpi ne, %convert_element_type3A_73, %cond3A_74 : i32
        scf.if %cond3A_75 {
          %sub3A = arith.constant 1 : i32
          %sub3A_84 = arith.subi %mul3A_29, %sub3A : i32
          %mul3A_85 = arith.constant 32 : i32
          %mul3A_86 = arith.muli %sub3A_84, %mul3A_85 : i32
          %add3A_87 = arith.addi %add3A, %mul3A_86 : i32
          %mul3A_88 = arith.constant 80 : i32
          %mul3A_89 = arith.muli %add3A_87, %mul3A_88 : i32
          %dma_wait3A_90 = arith.constant 0 : i32
          %dma_wait3A_91 = tpu.memref_slice %arg4[%mul3A_89, %dma_wait3A_90] : memref<40000x256xf32, #tpu.memory_space<hbm>> -> memref<80x256xf32, #tpu.memory_space<hbm>>
          %dma_wait3A_92 = arith.constant 0 : i32
          %dma_wait3A_93 = tpu.memref_slice %arg4[%mul3A_89, %dma_wait3A_92] : memref<40000x256xf32, #tpu.memory_space<hbm>> -> memref<80x256xf32, #tpu.memory_space<hbm>>
          tpu.wait_dma2 semaphore(%arg11 : memref<!tpu.dma_semaphore, #tpu.memory_space<semaphore_mem>>) src(%arg7 : memref<80x256xf32, #tpu.memory_space<vmem>>) dst(%dma_wait3A_93 : memref<80x256xf32, #tpu.memory_space<hbm>>)
        } else {
        }
        %add3A_76 = arith.constant 1 : i32
        %add3A_77 = arith.addi %mul3A_29, %add3A_76 : i32
        %dma_start3A_78 = arith.constant 0 : i32
        %dma_start3A_79 = tpu.memref_slice %arg5[%add3A_77, %dma_start3A_78] : memref<16x80xi32, #tpu.memory_space<vmem>> -> memref<1x80xi32, #tpu.memory_space<vmem>>
        %dma_start3A_80 = tpu.memref_squeeze %dma_start3A_79 : memref<1x80xi32, #tpu.memory_space<vmem>> -> memref<80xi32, #tpu.memory_space<vmem>>
        %dma_start3A_81 = arith.constant 0 : i32
        %dma_start3A_82 = arith.constant 0 : i32
        %dma_start3A_83 = tpu.memref_slice %arg3[%dma_start3A_81, %dma_start3A_82] : memref<50000x256xf32, #tpu.memory_space<hbm>> -> memref<50000x256xf32, #tpu.memory_space<hbm>>
        tpu.enqueue_indirect_dma source(%dma_start3A_83 : memref<50000x256xf32, #tpu.memory_space<hbm>>) target(%arg7 : memref<80x256xf32, #tpu.memory_space<vmem>>) offsets(%dma_start3A_80 : memref<80xi32, #tpu.memory_space<vmem>>) semaphore(%arg9 : memref<!tpu.dma_semaphore, #tpu.memory_space<semaphore_mem>>)
      } else {
      }
      %add3A_52 = arith.constant 1 : i32
      %add3A_53 = arith.addi %mul3A_29, %add3A_52 : i32
      %mul3A_54 = arith.constant 32 : i32
      %mul3A_55 = arith.muli %add3A_53, %mul3A_54 : i32
      %add3A_56 = arith.addi %add3A, %mul3A_55 : i32
      %lt3A_57 = arith.constant 500 : i32
      %lt3A_58 = arith.cmpi slt, %add3A_56, %lt3A_57 : i32
      %convert_element_type3A_59 = arith.extui %lt3A_58 : i1 to i32
      %cond3A_60 = arith.constant 0 : i32
      %cond3A_61 = arith.cmpi ne, %convert_element_type3A_59, %cond3A_60 : i32
      scf.if %cond3A_61 {
        %add3A_72 = arith.constant 1 : i32
        %add3A_73 = arith.addi %mul3A_29, %add3A_72 : i32
        %dma_wait3A_74 = arith.constant 0 : i32
        %dma_wait3A_75 = tpu.memref_slice %arg5[%add3A_73, %dma_wait3A_74] : memref<16x80xi32, #tpu.memory_space<vmem>> -> memref<1x80xi32, #tpu.memory_space<vmem>>
        %dma_wait3A_76 = tpu.memref_squeeze %dma_wait3A_75 : memref<1x80xi32, #tpu.memory_space<vmem>> -> memref<80xi32, #tpu.memory_space<vmem>>
        %dma_wait3A_77 = arith.constant 0 : i32
        %dma_wait3A_78 = arith.constant 0 : i32
        %dma_wait3A_79 = tpu.memref_slice %arg3[%dma_wait3A_77, %dma_wait3A_78] : memref<50000x256xf32, #tpu.memory_space<hbm>> -> memref<50000x256xf32, #tpu.memory_space<hbm>>
        tpu.wait_indirect_dma semaphore(%arg9 : memref<!tpu.dma_semaphore, #tpu.memory_space<semaphore_mem>>) src(%dma_wait3A_79 : memref<50000x256xf32, #tpu.memory_space<hbm>>) dst(%arg7 : memref<80x256xf32, #tpu.memory_space<vmem>>)
        %add3A_80 = arith.constant 1 : i32
        %add3A_81 = arith.addi %mul3A_29, %add3A_80 : i32
        %mul3A_82 = arith.constant 32 : i32
        %mul3A_83 = arith.muli %add3A_81, %mul3A_82 : i32
        %add3A_84 = arith.addi %add3A, %mul3A_83 : i32
        %mul3A_85 = arith.constant 80 : i32
        %mul3A_86 = arith.muli %add3A_84, %mul3A_85 : i32
        %dma_start3A_87 = arith.constant 0 : i32
        %dma_start3A_88 = tpu.memref_slice %arg4[%mul3A_86, %dma_start3A_87] : memref<40000x256xf32, #tpu.memory_space<hbm>> -> memref<80x256xf32, #tpu.memory_space<hbm>>
        %dma_start3A_89 = arith.constant 0 : i32
        %dma_start3A_90 = tpu.memref_slice %arg4[%mul3A_86, %dma_start3A_89] : memref<40000x256xf32, #tpu.memory_space<hbm>> -> memref<80x256xf32, #tpu.memory_space<hbm>>
        tpu.enqueue_dma source(%arg7 : memref<80x256xf32, #tpu.memory_space<vmem>>) target(%dma_start3A_90 : memref<80x256xf32, #tpu.memory_space<hbm>>) target_semaphore(%arg11 : memref<!tpu.dma_semaphore, #tpu.memory_space<semaphore_mem>>)
      } else {
      }
      %add3A_62 = arith.constant 2 : i32
      %add3A_63 = arith.addi %mul3A_29, %add3A_62 : i32
      %mul3A_64 = arith.constant 32 : i32
      %mul3A_65 = arith.muli %add3A_63, %mul3A_64 : i32
      %add3A_66 = arith.addi %add3A, %mul3A_65 : i32
      %lt3A_67 = arith.constant 500 : i32
      %lt3A_68 = arith.cmpi slt, %add3A_66, %lt3A_67 : i32
      %convert_element_type3A_69 = arith.extui %lt3A_68 : i1 to i32
      %cond3A_70 = arith.constant 0 : i32
      %cond3A_71 = arith.cmpi ne, %convert_element_type3A_69, %cond3A_70 : i32
      scf.if %cond3A_71 {
        %mul3A_72 = arith.constant 32 : i32
        %mul3A_73 = arith.muli %mul3A_29, %mul3A_72 : i32
        %add3A_74 = arith.addi %add3A, %mul3A_73 : i32
        %mul3A_75 = arith.constant 80 : i32
        %mul3A_76 = arith.muli %add3A_74, %mul3A_75 : i32
        %dma_wait3A_77 = arith.constant 0 : i32
        %dma_wait3A_78 = tpu.memref_slice %arg4[%mul3A_76, %dma_wait3A_77] : memref<40000x256xf32, #tpu.memory_space<hbm>> -> memref<80x256xf32, #tpu.memory_space<hbm>>
        %dma_wait3A_79 = arith.constant 0 : i32
        %dma_wait3A_80 = tpu.memref_slice %arg4[%mul3A_76, %dma_wait3A_79] : memref<40000x256xf32, #tpu.memory_space<hbm>> -> memref<80x256xf32, #tpu.memory_space<hbm>>
        tpu.wait_dma2 semaphore(%arg10 : memref<!tpu.dma_semaphore, #tpu.memory_space<semaphore_mem>>) src(%arg6 : memref<80x256xf32, #tpu.memory_space<vmem>>) dst(%dma_wait3A_80 : memref<80x256xf32, #tpu.memory_space<hbm>>)
        %add3A_81 = arith.constant 2 : i32
        %add3A_82 = arith.addi %mul3A_29, %add3A_81 : i32
        %dma_start3A_83 = arith.constant 0 : i32
        %dma_start3A_84 = tpu.memref_slice %arg5[%add3A_82, %dma_start3A_83] : memref<16x80xi32, #tpu.memory_space<vmem>> -> memref<1x80xi32, #tpu.memory_space<vmem>>
        %dma_start3A_85 = tpu.memref_squeeze %dma_start3A_84 : memref<1x80xi32, #tpu.memory_space<vmem>> -> memref<80xi32, #tpu.memory_space<vmem>>
        %dma_start3A_86 = arith.constant 0 : i32
        %dma_start3A_87 = arith.constant 0 : i32
        %dma_start3A_88 = tpu.memref_slice %arg3[%dma_start3A_86, %dma_start3A_87] : memref<50000x256xf32, #tpu.memory_space<hbm>> -> memref<50000x256xf32, #tpu.memory_space<hbm>>
        tpu.enqueue_indirect_dma source(%dma_start3A_88 : memref<50000x256xf32, #tpu.memory_space<hbm>>) target(%arg6 : memref<80x256xf32, #tpu.memory_space<vmem>>) offsets(%dma_start3A_85 : memref<80xi32, #tpu.memory_space<vmem>>) semaphore(%arg8 : memref<!tpu.dma_semaphore, #tpu.memory_space<semaphore_mem>>)
      } else {
      }
    }
    %scan3A_11 = arith.constant 8 : i32
    %add3A_12 = arith.constant 0 : i32
    %add3A_13 = arith.addi %add3A, %add3A_12 : i32
    %mul3A_14 = arith.constant 80 : i32
    %mul3A_15 = arith.muli %add3A_13, %mul3A_14 : i32
    %dma_wait3A = arith.constant 0 : i32
    %dma_wait3A_16 = tpu.memref_slice %arg4[%mul3A_15, %dma_wait3A] : memref<40000x256xf32, #tpu.memory_space<hbm>> -> memref<80x256xf32, #tpu.memory_space<hbm>>
    %dma_wait3A_17 = arith.constant 0 : i32
    %dma_wait3A_18 = tpu.memref_slice %arg4[%mul3A_15, %dma_wait3A_17] : memref<40000x256xf32, #tpu.memory_space<hbm>> -> memref<80x256xf32, #tpu.memory_space<hbm>>
    tpu.wait_dma2 semaphore(%arg10 : memref<!tpu.dma_semaphore, #tpu.memory_space<semaphore_mem>>) src(%arg6 : memref<80x256xf32, #tpu.memory_space<vmem>>) dst(%dma_wait3A_18 : memref<80x256xf32, #tpu.memory_space<hbm>>)
    %add3A_19 = arith.constant 0 : i32
    %add3A_20 = arith.addi %add3A, %add3A_19 : i32
    %mul3A_21 = arith.constant 80 : i32
    %mul3A_22 = arith.muli %add3A_20, %mul3A_21 : i32
    %dma_wait3A_23 = arith.constant 0 : i32
    %dma_wait3A_24 = tpu.memref_slice %arg4[%mul3A_22, %dma_wait3A_23] : memref<40000x256xf32, #tpu.memory_space<hbm>> -> memref<80x256xf32, #tpu.memory_space<hbm>>
    %dma_wait3A_25 = arith.constant 0 : i32
    %dma_wait3A_26 = tpu.memref_slice %arg4[%mul3A_22, %dma_wait3A_25] : memref<40000x256xf32, #tpu.memory_space<hbm>> -> memref<80x256xf32, #tpu.memory_space<hbm>>
    tpu.wait_dma2 semaphore(%arg11 : memref<!tpu.dma_semaphore, #tpu.memory_space<semaphore_mem>>) src(%arg7 : memref<80x256xf32, #tpu.memory_space<vmem>>) dst(%dma_wait3A_26 : memref<80x256xf32, #tpu.memory_space<hbm>>)
    return
  }
}

module attributes {stable_mosaic.version = 14 : i64} {
  func.func @_tc_fused_body2(%arg0: i32, %arg1: memref<5000x128xf32, #tpu.memory_space<vmem>>, %arg2: memref<5000x256xf32, #tpu.memory_space<vmem>>, %arg3: memref<128x256xf32, #tpu.memory_space<vmem>>, %arg4: memref<256x256xf32, #tpu.memory_space<vmem>>, %arg5: memref<1x256xf32, #tpu.memory_space<vmem>>, %arg6: memref<100000x256xf32, #tpu.memory_space<any>>, %arg7: memref<5000x256xf32, #tpu.memory_space<vmem>>) attributes {dimension_semantics = [#tpu.dimension_semantics<arbitrary>], iteration_bounds = array<i64: 8>, scalar_prefetch = 0 : i64, scratch_operands = 0 : i64, tpu.core_type = #tpu.core_type<tc>, window_params = [{transform_indices = @transform_0, window_bounds = array<i64: 5000, 128>}, {transform_indices = @transform_1, window_bounds = array<i64: 5000, 256>}, {pipeline_mode = #tpu.pipeline_mode<synchronous>, transform_indices = @transform_2, window_bounds = array<i64: 128, 256>}, {pipeline_mode = #tpu.pipeline_mode<synchronous>, transform_indices = @transform_3, window_bounds = array<i64: 256, 256>}, {pipeline_mode = #tpu.pipeline_mode<synchronous>, transform_indices = @transform_4, window_bounds = array<i64: 1, 256>}, {}, {transform_indices = @transform_6, window_bounds = array<i64: 5000, 256>}]} {
    %get3A = arith.constant 0 : index
    %get3A_0 = arith.constant 0 : index
    %get3A_1 = vector.load %arg1[%get3A, %get3A_0] : memref<5000x128xf32, #tpu.memory_space<vmem>>, vector<5000x128xf32>
    %get3A_2 = arith.constant 0 : index
    %get3A_3 = arith.constant 0 : index
    %get3A_4 = vector.load %arg3[%get3A_2, %get3A_3] : memref<128x256xf32, #tpu.memory_space<vmem>>, vector<128x256xf32>
    %dot_general3A = arith.constant dense<0.000000e+00> : vector<5000x256xf32>
    %dot_general3A_5 = tpu.matmul %get3A_1, %get3A_4, %dot_general3A {dimension_numbers = #tpu.dot_dimension_numbers<[1], [0], [0], [1], [0, 0, 1, 1], [], []>, transpose_lhs_hint = false} : vector<5000x128xf32>, vector<128x256xf32>, vector<5000x256xf32> -> vector<5000x256xf32>
    %get3A_6 = arith.constant 0 : index
    %get3A_7 = arith.constant 0 : index
    %get3A_8 = vector.load %arg2[%get3A_6, %get3A_7] : memref<5000x256xf32, #tpu.memory_space<vmem>>, vector<5000x256xf32>
    %get3A_9 = arith.constant 0 : index
    %get3A_10 = arith.constant 0 : index
    %get3A_11 = vector.load %arg4[%get3A_9, %get3A_10] : memref<256x256xf32, #tpu.memory_space<vmem>>, vector<256x256xf32>
    %dot_general3A_12 = arith.constant dense<0.000000e+00> : vector<5000x256xf32>
    %dot_general3A_13 = tpu.matmul %get3A_8, %get3A_11, %dot_general3A_12 {dimension_numbers = #tpu.dot_dimension_numbers<[1], [0], [0], [1], [0, 0, 1, 1], [], []>, transpose_lhs_hint = false} : vector<5000x256xf32>, vector<256x256xf32>, vector<5000x256xf32> -> vector<5000x256xf32>
    %add3A = arith.addf %dot_general3A_5, %dot_general3A_13 : vector<5000x256xf32>
    %get3A_14 = arith.constant 0 : index
    %get3A_15 = arith.constant 0 : index
    %get3A_16 = vector.load %arg5[%get3A_14, %get3A_15] : memref<1x256xf32, #tpu.memory_space<vmem>>, vector<1x256xf32>
    %add3A_17 = vector.broadcast %get3A_16 : vector<1x256xf32> to vector<5000x256xf32>
    %add3A_18 = arith.addf %add3A, %add3A_17 : vector<5000x256xf32>
    %swap3A = arith.constant 0 : index
    %swap3A_19 = arith.constant 0 : index
    %swap3A_20 = vector.load %arg7[%swap3A, %swap3A_19] : memref<5000x256xf32, #tpu.memory_space<vmem>>, vector<5000x256xf32>
    tpu.vector_store %arg7[%swap3A, %swap3A_19], %add3A_18 {strides = array<i32>} : memref<5000x256xf32, #tpu.memory_space<vmem>>, vector<5000x256xf32>,
    return
  }
  func.func @transform_0(%arg0: i32) -> (i32, i32) {
    %add3A = arith.constant 4 : i32
    %add3A_0 = arith.addi %arg0, %add3A : i32
    %c0_i32 = arith.constant 0 : i32
    %c0_i32_1 = arith.constant 0 : i32
    return %add3A_0, %c0_i32 : i32, i32
  }
  func.func @transform_1(%arg0: i32) -> (i32, i32) {
    %c0_i32 = arith.constant 0 : i32
    %c0_i32_0 = arith.constant 0 : i32
    return %arg0, %c0_i32 : i32, i32
  }
  func.func @transform_2(%arg0: i32) -> (i32, i32) {
    %c0_i32 = arith.constant 0 : i32
    %c0_i32_0 = arith.constant 0 : i32
    %c0_i32_1 = arith.constant 0 : i32
    return %c0_i32, %c0_i32_0 : i32, i32
  }
  func.func @transform_3(%arg0: i32) -> (i32, i32) {
    %c0_i32 = arith.constant 0 : i32
    %c0_i32_0 = arith.constant 0 : i32
    %c0_i32_1 = arith.constant 0 : i32
    return %c0_i32, %c0_i32_0 : i32, i32
  }
  func.func @transform_4(%arg0: i32) -> (i32, i32) {
    %c0_i32 = arith.constant 0 : i32
    %c0_i32_0 = arith.constant 0 : i32
    %c0_i32_1 = arith.constant 0 : i32
    return %c0_i32, %c0_i32_0 : i32, i32
  }
  func.func @transform_6(%arg0: i32) -> (i32, i32) {
    %add3A = arith.constant 4 : i32
    %add3A_0 = arith.addi %arg0, %add3A : i32
    %c0_i32 = arith.constant 0 : i32
    %c0_i32_1 = arith.constant 0 : i32
    return %add3A_0, %c0_i32 : i32, i32
  }
}

module attributes {stable_mosaic.version = 14 : i64} {
  func.func @_tc_fused_body(%arg0: i32, %arg1: memref<5000x128xf32, #tpu.memory_space<vmem>>, %arg2: memref<5000x256xf32, #tpu.memory_space<vmem>>, %arg3: memref<128x256xf32, #tpu.memory_space<vmem>>, %arg4: memref<256x256xf32, #tpu.memory_space<vmem>>, %arg5: memref<1x256xf32, #tpu.memory_space<vmem>>, %arg6: memref<5000x256xf32, #tpu.memory_space<vmem>>) attributes {dimension_semantics = [#tpu.dimension_semantics<arbitrary>], iteration_bounds = array<i64: 4>, scalar_prefetch = 0 : i64, scratch_operands = 0 : i64, tpu.core_type = #tpu.core_type<tc>, window_params = [{transform_indices = @transform_0, window_bounds = array<i64: 5000, 128>}, {transform_indices = @transform_1, window_bounds = array<i64: 5000, 256>}, {pipeline_mode = #tpu.pipeline_mode<synchronous>, transform_indices = @transform_2, window_bounds = array<i64: 128, 256>}, {pipeline_mode = #tpu.pipeline_mode<synchronous>, transform_indices = @transform_3, window_bounds = array<i64: 256, 256>}, {pipeline_mode = #tpu.pipeline_mode<synchronous>, transform_indices = @transform_4, window_bounds = array<i64: 1, 256>}, {transform_indices = @transform_5, window_bounds = array<i64: 5000, 256>}]} {
    %get3A = arith.constant 0 : index
    %get3A_0 = arith.constant 0 : index
    %get3A_1 = vector.load %arg1[%get3A, %get3A_0] : memref<5000x128xf32, #tpu.memory_space<vmem>>, vector<5000x128xf32>
    %get3A_2 = arith.constant 0 : index
    %get3A_3 = arith.constant 0 : index
    %get3A_4 = vector.load %arg3[%get3A_2, %get3A_3] : memref<128x256xf32, #tpu.memory_space<vmem>>, vector<128x256xf32>
    %dot_general3A = arith.constant dense<0.000000e+00> : vector<5000x256xf32>
    %dot_general3A_5 = tpu.matmul %get3A_1, %get3A_4, %dot_general3A {dimension_numbers = #tpu.dot_dimension_numbers<[1], [0], [0], [1], [0, 0, 1, 1], [], []>, transpose_lhs_hint = false} : vector<5000x128xf32>, vector<128x256xf32>, vector<5000x256xf32> -> vector<5000x256xf32>
    %get3A_6 = arith.constant 0 : index
    %get3A_7 = arith.constant 0 : index
    %get3A_8 = vector.load %arg2[%get3A_6, %get3A_7] : memref<5000x256xf32, #tpu.memory_space<vmem>>, vector<5000x256xf32>
    %get3A_9 = arith.constant 0 : index
    %get3A_10 = arith.constant 0 : index
    %get3A_11 = vector.load %arg4[%get3A_9, %get3A_10] : memref<256x256xf32, #tpu.memory_space<vmem>>, vector<256x256xf32>
    %dot_general3A_12 = arith.constant dense<0.000000e+00> : vector<5000x256xf32>
    %dot_general3A_13 = tpu.matmul %get3A_8, %get3A_11, %dot_general3A_12 {dimension_numbers = #tpu.dot_dimension_numbers<[1], [0], [0], [1], [0, 0, 1, 1], [], []>, transpose_lhs_hint = false} : vector<5000x256xf32>, vector<256x256xf32>, vector<5000x256xf32> -> vector<5000x256xf32>
    %add3A = arith.addf %dot_general3A_5, %dot_general3A_13 : vector<5000x256xf32>
    %get3A_14 = arith.constant 0 : index
    %get3A_15 = arith.constant 0 : index
    %get3A_16 = vector.load %arg5[%get3A_14, %get3A_15] : memref<1x256xf32, #tpu.memory_space<vmem>>, vector<1x256xf32>
    %add3A_17 = vector.broadcast %get3A_16 : vector<1x256xf32> to vector<5000x256xf32>
    %add3A_18 = arith.addf %add3A, %add3A_17 : vector<5000x256xf32>
    %swap3A = arith.constant 0 : index
    %swap3A_19 = arith.constant 0 : index
    %swap3A_20 = vector.load %arg6[%swap3A, %swap3A_19] : memref<5000x256xf32, #tpu.memory_space<vmem>>, vector<5000x256xf32>
    tpu.vector_store %arg6[%swap3A, %swap3A_19], %add3A_18 {strides = array<i32>} : memref<5000x256xf32, #tpu.memory_space<vmem>>, vector<5000x256xf32>,
    return
  }
  func.func @transform_0(%arg0: i32) -> (i32, i32) {
    %add3A = arith.constant 0 : i32
    %add3A_0 = arith.addi %arg0, %add3A : i32
    %c0_i32 = arith.constant 0 : i32
    %c0_i32_1 = arith.constant 0 : i32
    return %add3A_0, %c0_i32 : i32, i32
  }
  func.func @transform_1(%arg0: i32) -> (i32, i32) {
    %c0_i32 = arith.constant 0 : i32
    %c0_i32_0 = arith.constant 0 : i32
    return %arg0, %c0_i32 : i32, i32
  }
  func.func @transform_2(%arg0: i32) -> (i32, i32) {
    %c0_i32 = arith.constant 0 : i32
    %c0_i32_0 = arith.constant 0 : i32
    %c0_i32_1 = arith.constant 0 : i32
    return %c0_i32, %c0_i32_0 : i32, i32
  }
  func.func @transform_3(%arg0: i32) -> (i32, i32) {
    %c0_i32 = arith.constant 0 : i32
    %c0_i32_0 = arith.constant 0 : i32
    %c0_i32_1 = arith.constant 0 : i32
    return %c0_i32, %c0_i32_0 : i32, i32
  }
  func.func @transform_4(%arg0: i32) -> (i32, i32) {
    %c0_i32 = arith.constant 0 : i32
    %c0_i32_0 = arith.constant 0 : i32
    %c0_i32_1 = arith.constant 0 : i32
    return %c0_i32, %c0_i32_0 : i32, i32
  }
  func.func @transform_5(%arg0: i32) -> (i32, i32) {
    %add3A = arith.constant 0 : i32
    %add3A_0 = arith.addi %arg0, %add3A : i32
    %c0_i32 = arith.constant 0 : i32
    %c0_i32_1 = arith.constant 0 : i32
    return %add3A_0, %c0_i32 : i32, i32
  }
}

module attributes {stable_mosaic.version = 14 : i64} {
  func.func @_tc_fused_body2(%arg0: i32, %arg1: memref<5000x128xf32, #tpu.memory_space<vmem>>, %arg2: memref<5000x256xf32, #tpu.memory_space<vmem>>, %arg3: memref<128x256xf32, #tpu.memory_space<vmem>>, %arg4: memref<256x256xf32, #tpu.memory_space<vmem>>, %arg5: memref<1x256xf32, #tpu.memory_space<vmem>>, %arg6: memref<100000x256xf32, #tpu.memory_space<any>>, %arg7: memref<5000x256xf32, #tpu.memory_space<vmem>>) attributes {dimension_semantics = [#tpu.dimension_semantics<arbitrary>], iteration_bounds = array<i64: 8>, scalar_prefetch = 0 : i64, scratch_operands = 0 : i64, tpu.core_type = #tpu.core_type<tc>, window_params = [{transform_indices = @transform_0, window_bounds = array<i64: 5000, 128>}, {transform_indices = @transform_1, window_bounds = array<i64: 5000, 256>}, {pipeline_mode = #tpu.pipeline_mode<synchronous>, transform_indices = @transform_2, window_bounds = array<i64: 128, 256>}, {pipeline_mode = #tpu.pipeline_mode<synchronous>, transform_indices = @transform_3, window_bounds = array<i64: 256, 256>}, {pipeline_mode = #tpu.pipeline_mode<synchronous>, transform_indices = @transform_4, window_bounds = array<i64: 1, 256>}, {}, {transform_indices = @transform_6, window_bounds = array<i64: 5000, 256>}]} {
    %get3A = arith.constant 0 : index
    %get3A_0 = arith.constant 0 : index
    %get3A_1 = vector.load %arg1[%get3A, %get3A_0] : memref<5000x128xf32, #tpu.memory_space<vmem>>, vector<5000x128xf32>
    %get3A_2 = arith.constant 0 : index
    %get3A_3 = arith.constant 0 : index
    %get3A_4 = vector.load %arg3[%get3A_2, %get3A_3] : memref<128x256xf32, #tpu.memory_space<vmem>>, vector<128x256xf32>
    %dot_general3A = arith.constant dense<0.000000e+00> : vector<5000x256xf32>
    %dot_general3A_5 = tpu.matmul %get3A_1, %get3A_4, %dot_general3A {dimension_numbers = #tpu.dot_dimension_numbers<[1], [0], [0], [1], [0, 0, 1, 1], [], []>, transpose_lhs_hint = false} : vector<5000x128xf32>, vector<128x256xf32>, vector<5000x256xf32> -> vector<5000x256xf32>
    %get3A_6 = arith.constant 0 : index
    %get3A_7 = arith.constant 0 : index
    %get3A_8 = vector.load %arg2[%get3A_6, %get3A_7] : memref<5000x256xf32, #tpu.memory_space<vmem>>, vector<5000x256xf32>
    %get3A_9 = arith.constant 0 : index
    %get3A_10 = arith.constant 0 : index
    %get3A_11 = vector.load %arg4[%get3A_9, %get3A_10] : memref<256x256xf32, #tpu.memory_space<vmem>>, vector<256x256xf32>
    %dot_general3A_12 = arith.constant dense<0.000000e+00> : vector<5000x256xf32>
    %dot_general3A_13 = tpu.matmul %get3A_8, %get3A_11, %dot_general3A_12 {dimension_numbers = #tpu.dot_dimension_numbers<[1], [0], [0], [1], [0, 0, 1, 1], [], []>, transpose_lhs_hint = false} : vector<5000x256xf32>, vector<256x256xf32>, vector<5000x256xf32> -> vector<5000x256xf32>
    %add3A = arith.addf %dot_general3A_5, %dot_general3A_13 : vector<5000x256xf32>
    %get3A_14 = arith.constant 0 : index
    %get3A_15 = arith.constant 0 : index
    %get3A_16 = vector.load %arg5[%get3A_14, %get3A_15] : memref<1x256xf32, #tpu.memory_space<vmem>>, vector<1x256xf32>
    %add3A_17 = vector.broadcast %get3A_16 : vector<1x256xf32> to vector<5000x256xf32>
    %add3A_18 = arith.addf %add3A, %add3A_17 : vector<5000x256xf32>
    %swap3A = arith.constant 0 : index
    %swap3A_19 = arith.constant 0 : index
    %swap3A_20 = vector.load %arg7[%swap3A, %swap3A_19] : memref<5000x256xf32, #tpu.memory_space<vmem>>, vector<5000x256xf32>
    tpu.vector_store %arg7[%swap3A, %swap3A_19], %add3A_18 {strides = array<i32>} : memref<5000x256xf32, #tpu.memory_space<vmem>>, vector<5000x256xf32>,
    return
  }
  func.func @transform_0(%arg0: i32) -> (i32, i32) {
    %add3A = arith.constant 12 : i32
    %add3A_0 = arith.addi %arg0, %add3A : i32
    %c0_i32 = arith.constant 0 : i32
    %c0_i32_1 = arith.constant 0 : i32
    return %add3A_0, %c0_i32 : i32, i32
  }
  func.func @transform_1(%arg0: i32) -> (i32, i32) {
    %c0_i32 = arith.constant 0 : i32
    %c0_i32_0 = arith.constant 0 : i32
    return %arg0, %c0_i32 : i32, i32
  }
  func.func @transform_2(%arg0: i32) -> (i32, i32) {
    %c0_i32 = arith.constant 0 : i32
    %c0_i32_0 = arith.constant 0 : i32
    %c0_i32_1 = arith.constant 0 : i32
    return %c0_i32, %c0_i32_0 : i32, i32
  }
  func.func @transform_3(%arg0: i32) -> (i32, i32) {
    %c0_i32 = arith.constant 0 : i32
    %c0_i32_0 = arith.constant 0 : i32
    %c0_i32_1 = arith.constant 0 : i32
    return %c0_i32, %c0_i32_0 : i32, i32
  }
  func.func @transform_4(%arg0: i32) -> (i32, i32) {
    %c0_i32 = arith.constant 0 : i32
    %c0_i32_0 = arith.constant 0 : i32
    %c0_i32_1 = arith.constant 0 : i32
    return %c0_i32, %c0_i32_0 : i32, i32
  }
  func.func @transform_6(%arg0: i32) -> (i32, i32) {
    %add3A = arith.constant 12 : i32
    %add3A_0 = arith.addi %arg0, %add3A : i32
    %c0_i32 = arith.constant 0 : i32
    %c0_i32_1 = arith.constant 0 : i32
    return %add3A_0, %c0_i32 : i32, i32
  }
}

</mosaic_0001>

<sc_bundles>
// kernel: kernel.11.cloned.1.call-start
scs
__scs_entry_jumppad:
0x0: {  	(pc) =	sbr.rel $0x88, $3  }
0x1: {  	(tag) =	ssettag $0x0;
	lr =	simm.s32 $0x1  }
0x2: {  	[smem:$0x3F9A] =	sst lr;
	_ =	strace $0xD0000000  }
0x3: {  	_ = 	snop  }
0x4: {  	_ = 	snop  }
0x5: {  	_ = 	snop  }
0x6: {  	_ = 	snop  }
0x7: {  	_ = 	snop  }
__scs_overlays_trampoline_lowered:
0x8: {  	[smem:$0x3FA9] =	sst s0  }
0x9: {  	[smem:$0x3FAA] =	sst s1  }
0xa: {  	[smem:$0x3FAB] =	sst s2  }
0xb: {  	[smem:$0x3FAC] =	sst s3  }
0xc: {  	[smem:$0x3FAD] =	sst s4  }
0xd: {  	[smem:$0x3FAE] =	sst s5  }
0xe: {  	[smem:$0x3FAF] =	sst s6  }
0xf: {  	[smem:$0x3FB0] =	sst s7  }
0x10: {  	[smem:$0x3FB1] =	sst s8  }
0x11: {  	[smem:$0x3FB2] =	sst s9;
	s0 =	simm.s32 @!p0 $0x0  }
0x12: {  	s1 =	sld [smem:$0x3F98];
	s0 =	simm.s32 @p0 $0x1  }
0x13: {  	[smem:$0x3FB3] =	sst s0;
	s0 =	simm.s32 @!p1 $0x0  }
0x14: {  	s2 =	sld [smem:$0x3F97];
	s0 =	simm.s32 @p1 $0x1  }
0x15: {  	[smem:$0x3FB4] =	sst s0;
	s0 =	simm.s32 @!p2 $0x0  }
0x16: {  	s3 =	sld [smem:$0x3FDB];
	s0 =	simm.s32 @p2 $0x1  }
0x17: {  	s4 =	simm.s32 $0x1BF5;
	[smem:$0x3FB6] =	sst s0  }
0x18: {  	s0 =	sld [smem:$0x3F99];
	_ =	swait.ge [sflag:s4], $0x0  }
0x19: {  	s7 =	sld [smem:$0x3F9A]  }
0x1a: {  	s8 =	sadd.s32 $0xFFFFE003, lr  }
0x1b: {  	s9 =	sadd.s32 $0xFFFFFEF7, lr;
	s5 =	simm.s32 $0xFFFFFFFF;
	p2 =	slt.u32 s8, $0xFFFFF086  }
0x1c: {  	p1 =	slt.u32 s9, $0xF7A;
	s5 =	simm.s32 @!p2 $0x0  }
0x1d: {  	s5 =	simm.s32 @p1 $0x1;
	p0 =	seq.s32 s7, s2  }
0x1e: {  	s7 =	smul.u32 @!p0 $0xF7A, s2;
	p2 =	seq.s32 @!p0 s5, $0x0  }
0x1f: {  	s9 =	smul.u32 $0xF7A, s1;
	s8 =	simm.s32 @!p0 $0x1BF5;
	p2 =	por !p2, p0  }
0x20: {  	[sflag:s8] =	ssyncset.s32 @!p0 $0xFFFFF086;
	s6 =	sadd.s32 @!p0 s3, s7;
	s7 =	simm.s32 @!p0 $0x108  }
0x21: {  	s3 =	sadd.s32 s3, s9;
	s6 =	sadd.s32 @!p0 $0x88, s6;
	s7 =	simm.s32 @p2 $0x1082  }
0x22: {  	[simem:s7], [sflag:s8] =	dma.local @!p0 [hbm:s6], $0xF7A  }
0x23: {  	s9 =	sor.u32 $0xD0000000, s2;
	s6 =	simm.s32 $0x108;
	_ =	swait.ge @!p0 [sflag:s8], $0x0  }
0x24: {  	s3 =	sadd.s32 $0x88, s3;
	s6 =	simm.s32 @!p1 $0x1082;
	[sflag:s4] =	ssyncset.s32 $0xFFFFF086  }
0x25: {  	[simem:s6], [sflag:s4] =	dma.local [hbm:s3], $0xF7A  }
0x26: {  	[smem:$0x3F9A] =	sst s1;
	(tag) =	ssettag s2;
	_ =	strace s9  }
0x27: {  	s1 =	sld [smem:$0x3FAA]  }
0x28: {  	s2 =	sld [smem:$0x3FAB]  }
0x29: {  	s4 =	sld [smem:$0x3FAD]  }
0x2a: {  	p0 =	seq.s32 s5, $0x0;
	s5 =	sld [smem:$0x3FAE]  }
0x2b: {  	s6 =	sld [smem:$0x3FAF]  }
0x2c: {  	s7 =	sld [smem:$0x3FB0]  }
0x2d: {  	s3 =	simm.s32 $0x108;
	s8 =	sld [smem:$0x3FB1]  }
0x2e: {  	s3 =	simm.s32 @!p0 $0x1082;
	s9 =	sld [smem:$0x3FB2]  }
0x2f: {  	lr =	sadd.s32 s0, s3;
	s0 =	sld [smem:$0x3FA9]  }
0x30: {  	s3 =	sld [smem:$0x3FAC]  }
0x31: {  	[smem:$0x3FB5] =	sst s10  }
0x32: {  	s10 =	sld [smem:$0x3FB3];
	_ =	sdelay $0x3  }
0x33: {  	p0 =	seq.s32 s10, $0x1;
	s10 =	sld [smem:$0x3FB5];
	_ =	sdelay $0x3  }
0x34: {  	[smem:$0x3FB5] =	sst s10  }
0x35: {  	s10 =	sld [smem:$0x3FB4];
	_ =	sdelay $0x3  }
0x36: {  	p1 =	seq.s32 s10, $0x1;
	s10 =	sld [smem:$0x3FB5];
	_ =	sdelay $0x3  }
0x37: {  	[smem:$0x3FB5] =	sst s10  }
0x38: {  	s10 =	sld [smem:$0x3FB6]  }
0x39: {  	_ = 	snop;
	(pc) =	sbr.ind lr, $3  }
0x3a: {  	_ = 	snop  }
0x3b: {  	_ = 	snop  }
0x3c: {  	p2 =	seq.s32 s10, $0x1;
	s10 =	sld [smem:$0x3FB5]  }
0x3d: {  	_ =	shalt  }
0x3e: {  	_ =	shalt  }
0x3f: {  	_ =	shalt  }
0x40: {  	_ =	shalt  }
0x41: {  	_ =	shalt  }
0x42: {  	_ =	shalt  }
0x43: {  	_ =	shalt  }
0x44: {  	_ =	shalt  }
0x45: {  	_ =	shalt  }
0x46: {  	_ =	shalt  }
0x47: {  	_ =	shalt  }
0x48: {  	_ =	shalt  }
0x49: {  	_ =	shalt  }
0x4a: {  	_ =	shalt  }
0x4b: {  	_ =	shalt  }
0x4c: {  	_ =	shalt  }
0x4d: {  	_ =	shalt  }
0x4e: {  	_ =	shalt  }
0x4f: {  	_ =	shalt  }
0x50: {  	_ =	shalt  }
0x51: {  	_ =	shalt  }
0x52: {  	_ =	shalt  }
0x53: {  	_ =	shalt  }
0x54: {  	_ =	shalt  }
0x55: {  	_ =	shalt  }
0x56: {  	_ =	shalt  }
0x57: {  	_ =	shalt  }
0x58: {  	_ =	shalt  }
0x59: {  	_ =	shalt  }
0x5a: {  	_ =	shalt  }
0x5b: {  	_ =	shalt  }
0x5c: {  	_ =	shalt  }
0x5d: {  	_ =	shalt  }
0x5e: {  	_ =	shalt  }
0x5f: {  	_ =	shalt  }
0x60: {  	_ =	shalt  }
0x61: {  	_ =	shalt  }
0x62: {  	_ =	shalt  }
0x63: {  	_ =	shalt  }
0x64: {  	_ =	shalt  }
0x65: {  	_ =	shalt  }
0x66: {  	_ =	shalt  }
0x67: {  	_ =	shalt  }
0x68: {  	_ =	shalt  }
0x69: {  	_ =	shalt  }
0x6a: {  	_ =	shalt  }
0x6b: {  	_ =	shalt  }
0x6c: {  	_ =	shalt  }
0x6d: {  	_ =	shalt  }
0x6e: {  	_ =	shalt  }
0x6f: {  	_ =	shalt  }
0x70: {  	_ =	shalt  }
0x71: {  	_ =	shalt  }
0x72: {  	_ =	shalt  }
0x73: {  	_ =	shalt  }
0x74: {  	_ =	shalt  }
0x75: {  	_ =	shalt  }
0x76: {  	_ =	shalt  }
0x77: {  	_ =	shalt  }
0x78: {  	_ =	shalt  }
0x79: {  	_ =	shalt  }
0x7a: {  	_ =	shalt  }
0x7b: {  	_ =	shalt  }
0x7c: {  	_ =	shalt  }
0x7d: {  	_ =	shalt  }
0x7e: {  	_ =	shalt  }
0x7f: {  	_ =	shalt  }
0x80: {  	_ =	shalt  }
0x81: {  	_ =	shalt  }
0x82: {  	_ =	shalt  }
0x83: {  	_ =	shalt  }
0x84: {  	_ =	shalt  }
0x85: {  	_ =	shalt  }
0x86: {  	_ =	shalt  }
0x87: {  	_ =	shalt  }
.Lfunc_end0:
.L_simem_size_0:
called_computation.1_lowered:
.L_overlay_start_0:
0x88: {  	s2 =	sld [smem:$0x3FD9]  }
0x89: {  	s3 =	sld [smem:$0x3FFE];
	_ =	sdelay $0x1  }
0x8a: {  	s1 =	srdreg.scid  }
0x8b: {  	s0 =	sand.u32 $0x1, s1  }
0x8c: {  	s17 =	sshll.u32 s0, $0xA;
	s2 =	sadd.s32 s3, s2  }
0x8d: {  	s2 =	sadd.s32 s2, s17  }
0x8e: {  	[smem:$0x3FC1] =	sst s2  }
0x8f: {  	_ = 	snop  }
0x90: {  	s18 =	sld [smem:$0x3FC8];
	(tm) =	ssettm $0x1  }
0x91: {  	s19 =	sld [smem:$0x3FFB];
	_ =	sdelay $0x3  }
0x92: {  	_ =	strace s19  }
0x93: {  	s2 =	sld [smem:$0x3FFC];
	_ =	sdelay $0x3  }
0x94: {  	_ =	strace s2  }
0x95: {  	s2 =	sld [smem:$0x3FFD];
	_ =	sdelay $0x3  }
0x96: {  	_ =	strace s2  }
0x97: {  	_ =	strace $0x8FFFFFFF  }
0x98: {  	s20 =	sld [smem:$0x3FDB];
	_ =	sdelay $0x1  }
0x99: {  	s4 =	simm.s32 $_scs_section_size  }
0x9a: {  	s5 =	simm.s32 $_size__tile_overlayer_lowered;
	s6 =	simm.s32 $_tile_overlayer_lowered  }
0x9b: {  	s7 =	simm.s32 $0x1BFF;
	s21 =	sshll.u32 s6, $0x1;
	s4 =	sadd.s32 s4, s20  }
0x9c: {  	s22 =	simm.s32 $0x0;
	s5 =	sshll.u32 s5, $0x1;
	s6 =	sadd.s32 s21, s4  }
0x9d: {  	[timem:s22], [sflag:s7] =	dma.local [hbm:s6], s5  }
0x9e: {  	_ =	swait.ge [sflag:s7], s5  }
0x9f: {  	s5 =	ssub.s32 $0x0, s5;
	[sflag:s7] =	ssyncset.done $0x0  }
0xa0: {  	[sflag:s7] =	ssyncadd.s32 s5;
	_ =	sdelay $0x1  }
0xa1: {  	s23 =	simm.s32 $0x1B8B  }
0xa2: {  	_ =	swait.ge [sflag:s23], $0x1  }
0xa3: {  	[sflag:s23] =	ssyncset.done $0x0  }
0xa4: {  	[sflag:s23] =	ssyncadd.s32 $0xFFFFFFFF  }
0xa5: {  	s5 =	sld [smem:$0x0]  }
0xa6: {  	s6 =	sand.u32 $0xFFFFFFFE, s1  }
0xa7: {  	p0 =	sne.s32 s1, s6  }
0xa8: {  	s6 =	sshll.u32 @p0 s6, $0xE  }
0xa9: {  	s6 =	sadd.s32 @p0 $0x11B8D, s6;
	s7 =	sshll.u32 @p0 s5, $0x11  }
0xaa: {  	s6 =	sor.u32 @p0 s7, s6  }
0xab: {  	[sflag:s6] =	ssyncadd.remote.s32 @p0 $0x1;
	_ =	sdelay $0x1  }
0xac: {  	s6 =	simm.s32 @p0 $0x1B8D  }
0xad: {  	_ =	swait.eq @p0 [sflag:s6], $0x1  }
0xae: {  	[sflag:s6] =	ssyncadd.s32 @p0 $0xFFFFFFFF  }
0xaf: {  	s7 =	sshll.u32 @!p0 s1, $0xE  }
0xb0: {  	s7 =	sor.u32 @!p0 $0x4000, s7;
	s6 =	simm.s32 @!p0 $0x1B8D  }
0xb1: {  	s5 =	sshll.u32 @!p0 s5, $0x11;
	s7 =	sadd.s32 @!p0 $0x11B8D, s7;
	_ =	swait.eq @!p0 [sflag:s6], $0x1  }
0xb2: {  	s5 =	sor.u32 @!p0 s5, s7;
	[sflag:s6] =	ssyncadd.s32 @!p0 $0xFFFFFFFF  }
0xb3: {  	s25 =	simm.s32 $0x1B8E;
	s24 =	sld [smem:$0x3FFE];
	[sflag:s5] =	ssyncadd.remote.s32 @!p0 $0x1  }
0xb4: {  	s26 =	simm.s32 $execute0_lowered;
	[smem:$0x3FD2] =	sst s25  }
0xb5: {  	s6 =	sshll.u32 s26, $0x1;
	_ =	strace $0x80000049;
	[dreg:$0x1] =	wrdreg $0xFFFFFFFF  }
0xb6: {  	s28 =	simm.s32 $_size_execute0_lowered;
	s4 =	sadd.s32 s4, s6;
	[dreg:$0x0] =	wrdreg $0x0  }
0xb7: {  	s6 =	sshll.u32 s28, $0x1;
	[dreg:$0x2] =	wrdreg s4  }
0xb8: {  	[dreg:$0x3] =	wrdreg s6  }
0xb9: {  	[dreg:$0x4] =	wrdreg $0xC0  }
0xba: {  	_ =	task [dreg:s22], $0x5FFFF  }
0xbb: {  	[dreg:$0x1] =	wrdreg $0xFFFFFFFF  }
0xbc: {  	[dreg:$0x0] =	wrdreg $0x60  }
0xbd: {  	[dreg:$0x2] =	wrdreg s24  }
0xbe: {  	[dreg:$0x3] =	wrdreg s18  }
0xbf: {  	[dreg:$0x4] =	wrdreg $0xA  }
0xc0: {  	_ =	task.clear_ibuf [dreg:s22], $0x5FFFF;
	_ =	strace $0x90000049  }
0xc1: {  	s29 =	simm.s32 $0xA;
	_ =	strace $0x8000004B  }
0xc2: {  	_ =	swait.ge [sflag:s29], $0x1  }
0xc3: {  	[sflag:s29] =	ssyncadd.s32 $0xFFFFFFFF  }
0xc4: {  	_ =	strace $0x9000004B  }
0xc5: {  	_ =	sfence  }
0xc6: {  	s30 =	sld [smem:$0x0];
	_ =	sdelay $0x2  }
0xc7: {  	s31 =	sshll.u32 s1, $0xD;
	s1 =	sshrl.u32 s1, $0x2  }
0xc8: {  	s4 =	sand.u32 $0x4000, s31;
	s1 =	sadd.s32 s1, s30  }
0xc9: {  	s0 =	sor.u32 s4, s0;
	s1 =	sshll.u32 s1, $0x11  }
0xca: {  	s0 =	sor.u32 s1, s0  }
0xcb: {  	s0 =	sadd.s32 $0x8F2B, s0  }
0xcc: {  	[sflag:s0] =	ssyncadd.remote.s32 $0x1  }
0xcd: {  	_ =	sfence.sel $0xFFFF  }
0xce: {  	[dreg:$0x0] =	wrdreg $0xFFFFFFFF;
	(pc) =	sbr.abs _section_cstart, $3  }
0xcf: {  	[dreg:$0x1] =	wrdreg $0xFFFFFFFF  }
0xd0: {  	_ =	task.clear_ibuf [dreg:s22], $0x2FFFF;
	_ =	strace $0x9FFFFFFF  }
0xd1: {  	(tm) =	ssettm $0x7FFFFFFF  }
tec
execute0_lowered:
.L_overlay_start_1:
0x0: {  	(tag) =	ssettag $0x1  }
0x1: {  	s0 =	rddreg [dreg:$0x0]  }
0x2: {  	s1 =	rddreg [dreg:$0x1];
	s3 =	simm.s32 $0x0;
	s2 =	srdreg.scid  }
0x3: {  	s5 =	stileid.u32;
	s10 =	simm.s32 $0x1000;
	s12 =	simm.s32 $0x800  }
0x4: {  	s13 =	simm.s32 $0x1800;
	s14 =	simm.s32 $0x2000;
	s15 =	simm.s32 $0x2800  }
0x5: {  	s16 =	simm.s32 $0x3000;
	s17 =	simm.s32 $0x3800;
	s18 =	simm.s32 $0x4000  }
0x6: {  	s19 =	simm.s32 $0x4800;
	s20 =	simm.s32 $0x5000;
	s21 =	simm.s32 $0x1  }
0x7: {  	s22 =	simm.s32 $0x5800;
	s23 =	simm.s32 $0x6000;
	s24 =	simm.s32 $0x6800  }
0x8: {  	s28 =	simm.s32 $0x8000;
	s29 =	simm.s32 $0x8800;
	s30 =	simm.s32 $0x9000  }
0x9: {  	s31 =	simm.s32 $0x9800;
	s2 =	sand.u32 $0x1, s2;
	s4 =	sshll.u32 s5, $0x1  }
0xa: {  	[smem:$0x7FF] =	sst s3;
	s5 =	smul.u32 $0x1400, s5;
	s6 =	sor.u32 s2, s4  }
0xb: {  	_ =	strace $0x8000004A;
	s7 =	ssub.s32 $0x2, s2;
	s8 =	sshll.u32 s6, $0x4  }
0xc: {  	s2 =	smul.u32 $0xA00, s2;
	s9 =	sshrl.u32 s7, $0x1;
	s8 =	sadd.s32 s8, s0  }
0xd: {  	s0 =	sadd.s32 s5, s0;
	s7 =	ssub.s32 s7, s9;
	s5 =	ssub.s32 $0x1F4, s4  }
.Ltmp0:
0xe: {  	s9 =	simm.s32 $0x3;
	s25 =	sadd.s32 $0x2A00, s8;
	(pc) =	sbr.rel .LBB2_1-.Ltmp0, $4  }
0xf: {  	s0 =	sadd.s32 s2, s0;
	s26 =	smax.u32 s7, $0x1;
	s8 =	sor.u32 $0x20, s6  }
0x10: {  	v2 =	vlaneseq.u32;
	s2 =	simm.s32 $0x2;
	s7 =	simm.s32 $0x0;
	[dreg:$0x3] =	wrdreg s25  }
0x11: {  	vm0 =	vmmov $0xffff;
	v1 =	vshrl.u32 v2, $0x3;
	[dreg:$0x4] =	wrdreg s26;
	s0 =	sadd.s32 $0x4A00, s0;
	s25 =	simm.s32 $0x7000  }
0x12: {  	v0 =	vand.u32 $0x7, v2;
	v2 =	vor.u32 $0x8, v2;
	v1 =	vmul.u32 $0x8, v1;
	s26 =	simm.s32 $0x7800;
	[dreg:$0x5] =	wrdreg s0;
	s0 =	simm.s32 $0xA000  }
.LBB2_7:
0x13: {  	_ =	swait.ge [sflag:s9], $0x5000  }
0x14: {  	[sflag:s9] =	ssyncset.done $0x0  }
0x15: {  	s6 =	simm.s32 $0x4;
	[sflag:s9] =	ssyncadd.s32 $0xFFFFB000  }
0x16: {  	_ =	swait.ge [sflag:s6], $0x5000  }
0x17: {  	s7 =	rddreg [dreg:$0x6]  }
0x18: {  	s4 =	rddreg [dreg:$0x4];
	s7 =	sadd.s32 $0x1, s7  }
0x19: {  	p0 =	sne.s32 s7, s4  }
.Ltmp1:
0x1a: {  	_ = 	snop;
	(pc) =	sbr.rel @!p0 .LBB2_8-.Ltmp1, $3  }
0x1b: {  	_ =	sdelay $0x1  }
0x1c: {  	[sflag:s6] =	ssyncset.done $0x0  }
0x1d: {  	[sflag:s6] =	ssyncadd.s32 $0xFFFFB000  }
.LBB2_1:
0x1e: {  	[dreg:$0x6] =	wrdreg s7  }
0x1f: {  	s4 =	rddreg [dreg:$0x3];
	s6 =	simm.s32 $0x80;
	s11 =	simm.s32 $0x5  }
0x20: {  	[tilespmem:s3], [sflag:$0x5] =	stream.strided.gather [hbm4b:s4+s6], $0x800, s10, s6, $0x38;
	[tilespmem:$0xA800] =	vst v63  }
0x21: {  	_ =	swait.ge [sflag:s11], $0x800  }
0x22: {  	[sflag:s11] =	ssyncset.done $0x0  }
0x23: {  	[sflag:s11] =	ssyncadd.s32 $0xFFFFF800  }
0x24: {  	v3 =	vld [tilespmem:$0x0];
	_ =	sdelay $0x4  }
0x25: {  	v4 =	vshll.u32 v3, $0x1  }
0x26: {  	v3 =	vand.u32 $0x7, v3;
	v4 =	vand.u32 $0xFFFFFFF0, v4  }
0x27: {  	v3 =	vor.u32 v3, v4  }
0x28: {  	v4 =	vperm.xlane v3, v0;
	_ =	sdelay $0x1  }
0x29: {  	v3 =	vperm.xlane v3, v2;
	v4 =	vadd.s32 v1, v4;
	_ =	sdelay $0x1  }
0x2a: {  	v3 =	vadd.s32 v1, v3;
	_ =	sdelay $0x2  }
0x2b: {  	[tilespmem:s12], [sflag:$0x1] =	stream.indirect_vreg.gather [hbm4b:s1+s3], $0x80, v4, vm0, $0xb8;
	[tilespmem:$0xA800] =	vst v63  }
0x2c: {  	_ = 	snop  }
0x2d: {  	[tilespmem:s10], [sflag:$0x1] =	stream.indirect_vreg.gather [hbm4b:s1+s3], $0x80, v3, vm0, $0xb8;
	[tilespmem:$0xA800] =	vst v63  }
0x2e: {  	v3 =	vld [tilespmem:$0x10];
	_ =	sdelay $0x4  }
0x2f: {  	v60 =	vshll.u32 v3, $0x1  }
0x30: {  	v3 =	vand.u32 $0x7, v3;
	v4 =	vand.u32 $0xFFFFFFF0, v60  }
0x31: {  	v3 =	vor.u32 v3, v4  }
0x32: {  	v4 =	vperm.xlane v3, v0;
	_ =	sdelay $0x1  }
0x33: {  	v3 =	vperm.xlane v3, v2;
	v4 =	vadd.s32 v1, v4;
	_ =	sdelay $0x1  }
0x34: {  	v3 =	vadd.s32 v1, v3;
	_ =	sdelay $0x2  }
0x35: {  	[tilespmem:s13], [sflag:$0x1] =	stream.indirect_vreg.gather [hbm4b:s1+s3], $0x80, v4, vm0, $0xb8;
	[tilespmem:$0xA800] =	vst v63  }
0x36: {  	_ = 	snop  }
0x37: {  	[tilespmem:s14], [sflag:$0x1] =	stream.indirect_vreg.gather [hbm4b:s1+s3], $0x80, v3, vm0, $0xb8;
	[tilespmem:$0xA800] =	vst v63  }
0x38: {  	v3 =	vld [tilespmem:$0x20];
	_ =	sdelay $0x4  }
0x39: {  	v61 =	vshll.u32 v3, $0x1  }
0x3a: {  	v3 =	vand.u32 $0x7, v3;
	v4 =	vand.u32 $0xFFFFFFF0, v61  }
0x3b: {  	v3 =	vor.u32 v3, v4  }
0x3c: {  	v4 =	vperm.xlane v3, v0;
	_ =	sdelay $0x1  }
0x3d: {  	v3 =	vperm.xlane v3, v2;
	v4 =	vadd.s32 v1, v4;
	_ =	sdelay $0x1  }
0x3e: {  	v3 =	vadd.s32 v1, v3;
	_ =	sdelay $0x2  }
0x3f: {  	[tilespmem:s15], [sflag:$0x1] =	stream.indirect_vreg.gather [hbm4b:s1+s3], $0x80, v4, vm0, $0xb8;
	[tilespmem:$0xA800] =	vst v63  }
0x40: {  	_ = 	snop  }
0x41: {  	[tilespmem:s16], [sflag:$0x1] =	stream.indirect_vreg.gather [hbm4b:s1+s3], $0x80, v3, vm0, $0xb8;
	[tilespmem:$0xA800] =	vst v63  }
0x42: {  	v3 =	vld [tilespmem:$0x30];
	_ =	sdelay $0x4  }
0x43: {  	v62 =	vshll.u32 v3, $0x1  }
0x44: {  	v3 =	vand.u32 $0x7, v3;
	v4 =	vand.u32 $0xFFFFFFF0, v62  }
0x45: {  	v3 =	vor.u32 v3, v4  }
0x46: {  	v4 =	vperm.xlane v3, v0;
	_ =	sdelay $0x1  }
0x47: {  	v3 =	vperm.xlane v3, v2;
	v4 =	vadd.s32 v1, v4;
	_ =	sdelay $0x1  }
0x48: {  	v3 =	vadd.s32 v1, v3;
	_ =	sdelay $0x2  }
0x49: {  	[tilespmem:s17], [sflag:$0x1] =	stream.indirect_vreg.gather [hbm4b:s1+s3], $0x80, v4, vm0, $0xb8;
	[tilespmem:$0xA800] =	vst v63  }
0x4a: {  	_ = 	snop  }
0x4b: {  	[tilespmem:s18], [sflag:$0x1] =	stream.indirect_vreg.gather [hbm4b:s1+s3], $0x80, v3, vm0, $0xb8;
	[tilespmem:$0xA800] =	vst v63  }
0x4c: {  	v3 =	vld [tilespmem:$0x40];
	_ =	sdelay $0x4  }
0x4d: {  	v63 =	vshll.u32 v3, $0x1  }
0x4e: {  	v3 =	vand.u32 $0x7, v3;
	v4 =	vand.u32 $0xFFFFFFF0, v63  }
0x4f: {  	v3 =	vor.u32 v3, v4  }
0x50: {  	v4 =	vperm.xlane v3, v0;
	_ =	sdelay $0x1  }
0x51: {  	v3 =	vperm.xlane v3, v2;
	v4 =	vadd.s32 v1, v4;
	_ =	sdelay $0x1  }
0x52: {  	v3 =	vadd.s32 v1, v3  }
.Ltmp2:
0x53: {  	_ = 	snop;
	(pc) =	sbr.rel .LBB2_2-.Ltmp2, $4  }
0x54: {  	_ = 	snop  }
0x55: {  	[tilespmem:s19], [sflag:$0x1] =	stream.indirect_vreg.gather [hbm4b:s1+s3], $0x80, v4, vm0, $0xb8;
	[tilespmem:$0xA800] =	vst v63  }
0x56: {  	s7 =	simm.s32 $0x40;
	s4 =	rddreg [dreg:$0x5];
	s11 =	simm.s32 $0xA0  }
0x57: {  	[tilespmem:s20], [sflag:$0x1] =	stream.indirect_vreg.gather [hbm4b:s1+s3], $0x80, v3, vm0, $0xb8;
	[tilespmem:$0xA800] =	vst v63  }
.LBB2_6:
0x58: {  	s7 =	sadd.s32 $0x40, s7  }
0x59: {  	p0 =	sne.s32 s7, $0x240  }
.Ltmp3:
0x5a: {  	_ = 	snop;
	(pc) =	sbr.rel @!p0 .LBB2_7-.Ltmp3, $2  }
0x5b: {  	_ =	sdelay $0x2  }
0x5c: {  	s4 =	sadd.s32 $0x28000, s4;
	s11 =	sadd.s32 $0x100, s11  }
.LBB2_2:
0x5d: {  	s6 =	sadd.s32 s7, s8  }
0x5e: {  	s6 =	sadd.s32 $0xFFFFFFC0, s6  }
0x5f: {  	p0 =	sgt.u32 s6, $0x1F3  }
.Ltmp4:
0x60: {  	_ = 	snop;
	(pc) =	sbr.rel @p0 .LBB2_4-.Ltmp4, $4  }
0x61: {  	_ =	swait.ge [sflag:s21], $0x5000  }
0x62: {  	[sflag:s21] =	ssyncset.done $0x0  }
0x63: {  	[sflag:s21] =	ssyncadd.s32 $0xFFFFB000  }
0x64: {  	[hbm4b:s4+s3] =	stream.linear.scatter [tilespmem:s12], [sflag:$0x3], $0x5000, $0x38;
	[tilespmem:$0xA800] =	vst v63  }
0x65: {  	p0 =	seq.s32 s7, $0x40  }
0x66: {  	s6 =	simm.s32 @!p0 $0x4  }
0x67: {  	_ =	swait.ge @!p0 [sflag:s6], $0x5000  }
0x68: {  	[sflag:s6] =	ssyncset.done @!p0 $0x0  }
0x69: {  	[sflag:s6] =	ssyncadd.s32 @!p0 $0xFFFFB000  }
0x6a: {  	v3 =	vld [tilespmem:s11+$0xFFFFFFE0];
	_ =	sdelay $0x4  }
0x6b: {  	v4 =	vshll.u32 v3, $0x1  }
0x6c: {  	v3 =	vand.u32 $0x7, v3;
	v4 =	vand.u32 $0xFFFFFFF0, v4  }
0x6d: {  	v3 =	vor.u32 v3, v4  }
0x6e: {  	v4 =	vperm.xlane v3, v0;
	_ =	sdelay $0x1  }
0x6f: {  	v3 =	vperm.xlane v3, v2;
	v4 =	vadd.s32 v1, v4;
	_ =	sdelay $0x1  }
0x70: {  	v3 =	vadd.s32 v1, v3;
	_ =	sdelay $0x2  }
0x71: {  	[tilespmem:s22], [sflag:$0x2] =	stream.indirect_vreg.gather [hbm4b:s1+s3], $0x80, v4, vm0, $0xb8;
	[tilespmem:$0xA800] =	vst v63  }
0x72: {  	_ = 	snop  }
0x73: {  	[tilespmem:s23], [sflag:$0x2] =	stream.indirect_vreg.gather [hbm4b:s1+s3], $0x80, v3, vm0, $0xb8;
	[tilespmem:$0xA800] =	vst v63  }
0x74: {  	v3 =	vld [tilespmem:s11+$0xFFFFFFF0];
	_ =	sdelay $0x4  }
0x75: {  	v60 =	vshll.u32 v3, $0x1  }
0x76: {  	v3 =	vand.u32 $0x7, v3;
	v4 =	vand.u32 $0xFFFFFFF0, v60  }
0x77: {  	v3 =	vor.u32 v3, v4  }
0x78: {  	v4 =	vperm.xlane v3, v0;
	_ =	sdelay $0x1  }
0x79: {  	v3 =	vperm.xlane v3, v2;
	v4 =	vadd.s32 v1, v4;
	_ =	sdelay $0x1  }
0x7a: {  	v3 =	vadd.s32 v1, v3;
	_ =	sdelay $0x2  }
0x7b: {  	[tilespmem:s24], [sflag:$0x2] =	stream.indirect_vreg.gather [hbm4b:s1+s3], $0x80, v4, vm0, $0xb8;
	[tilespmem:$0xA800] =	vst v63  }
0x7c: {  	_ = 	snop  }
0x7d: {  	[tilespmem:s25], [sflag:$0x2] =	stream.indirect_vreg.gather [hbm4b:s1+s3], $0x80, v3, vm0, $0xb8;
	[tilespmem:$0xA800] =	vst v63  }
0x7e: {  	v3 =	vld [tilespmem:s11+$0x0];
	_ =	sdelay $0x4  }
0x7f: {  	v61 =	vshll.u32 v3, $0x1  }
0x80: {  	v3 =	vand.u32 $0x7, v3;
	v4 =	vand.u32 $0xFFFFFFF0, v61  }
0x81: {  	v3 =	vor.u32 v3, v4  }
0x82: {  	v4 =	vperm.xlane v3, v0;
	_ =	sdelay $0x1  }
0x83: {  	v3 =	vperm.xlane v3, v2;
	v4 =	vadd.s32 v1, v4;
	_ =	sdelay $0x1  }
0x84: {  	v3 =	vadd.s32 v1, v3;
	_ =	sdelay $0x2  }
0x85: {  	[tilespmem:s26], [sflag:$0x2] =	stream.indirect_vreg.gather [hbm4b:s1+s3], $0x80, v4, vm0, $0xb8;
	[tilespmem:$0xA800] =	vst v63  }
0x86: {  	_ = 	snop  }
0x87: {  	[tilespmem:s28], [sflag:$0x2] =	stream.indirect_vreg.gather [hbm4b:s1+s3], $0x80, v3, vm0, $0xb8;
	[tilespmem:$0xA800] =	vst v63  }
0x88: {  	v3 =	vld [tilespmem:s11+$0x10];
	_ =	sdelay $0x4  }
0x89: {  	v62 =	vshll.u32 v3, $0x1  }
0x8a: {  	v3 =	vand.u32 $0x7, v3;
	v4 =	vand.u32 $0xFFFFFFF0, v62  }
0x8b: {  	v3 =	vor.u32 v3, v4  }
0x8c: {  	v4 =	vperm.xlane v3, v0;
	_ =	sdelay $0x1  }
0x8d: {  	v3 =	vperm.xlane v3, v2;
	v4 =	vadd.s32 v1, v4;
	_ =	sdelay $0x1  }
0x8e: {  	v3 =	vadd.s32 v1, v3;
	_ =	sdelay $0x2  }
0x8f: {  	[tilespmem:s29], [sflag:$0x2] =	stream.indirect_vreg.gather [hbm4b:s1+s3], $0x80, v4, vm0, $0xb8;
	[tilespmem:$0xA800] =	vst v63  }
0x90: {  	_ = 	snop  }
0x91: {  	[tilespmem:s30], [sflag:$0x2] =	stream.indirect_vreg.gather [hbm4b:s1+s3], $0x80, v3, vm0, $0xb8;
	[tilespmem:$0xA800] =	vst v63  }
0x92: {  	v3 =	vld [tilespmem:s11+$0x20];
	_ =	sdelay $0x4  }
0x93: {  	v63 =	vshll.u32 v3, $0x1  }
0x94: {  	v3 =	vand.u32 $0x7, v3;
	v4 =	vand.u32 $0xFFFFFFF0, v63  }
0x95: {  	v3 =	vor.u32 v3, v4  }
0x96: {  	v4 =	vperm.xlane v3, v0;
	_ =	sdelay $0x1  }
0x97: {  	v3 =	vperm.xlane v3, v2;
	v4 =	vadd.s32 v1, v4;
	_ =	sdelay $0x1  }
0x98: {  	v3 =	vadd.s32 v1, v3;
	_ =	sdelay $0x2  }
0x99: {  	[tilespmem:s31], [sflag:$0x2] =	stream.indirect_vreg.gather [hbm4b:s1+s3], $0x80, v4, vm0, $0xb8;
	[tilespmem:$0xA800] =	vst v63  }
0x9a: {  	_ = 	snop  }
0x9b: {  	[tilespmem:s0], [sflag:$0x2] =	stream.indirect_vreg.gather [hbm4b:s1+s3], $0x80, v3, vm0, $0xb8;
	[tilespmem:$0xA800] =	vst v63  }
0x9c: {  	_ =	swait.ge [sflag:s2], $0x5000  }
0x9d: {  	[sflag:s2] =	ssyncset.done $0x0  }
0x9e: {  	s6 =	sadd.s32 $0x14000, s4;
	[sflag:s2] =	ssyncadd.s32 $0xFFFFB000  }
0x9f: {  	[hbm4b:s6+s3] =	stream.linear.scatter [tilespmem:s22], [sflag:$0x4], $0x5000, $0x38;
	[tilespmem:$0xA800] =	vst v63  }
.LBB2_4:
0xa0: {  	p0 =	sge.u32 s7, s5  }
.Ltmp5:
0xa1: {  	_ = 	snop;
	(pc) =	sbr.rel @p0 .LBB2_6-.Ltmp5, $1  }
0xa2: {  	_ =	sdelay $0x3  }
0xa3: {  	_ =	swait.ge [sflag:s9], $0x5000  }
0xa4: {  	[sflag:s9] =	ssyncset.done $0x0  }
0xa5: {  	[sflag:s9] =	ssyncadd.s32 $0xFFFFB000  }
0xa6: {  	v3 =	vld [tilespmem:s11+$0x60];
	_ =	sdelay $0x4  }
0xa7: {  	v4 =	vshll.u32 v3, $0x1  }
0xa8: {  	v3 =	vand.u32 $0x7, v3;
	v4 =	vand.u32 $0xFFFFFFF0, v4  }
0xa9: {  	v3 =	vor.u32 v3, v4  }
0xaa: {  	v4 =	vperm.xlane v3, v0;
	_ =	sdelay $0x1  }
0xab: {  	v3 =	vperm.xlane v3, v2;
	v4 =	vadd.s32 v1, v4;
	_ =	sdelay $0x1  }
0xac: {  	v3 =	vadd.s32 v1, v3;
	_ =	sdelay $0x2  }
0xad: {  	[tilespmem:s12], [sflag:$0x1] =	stream.indirect_vreg.gather [hbm4b:s1+s3], $0x80, v4, vm0, $0xb8;
	[tilespmem:$0xA800] =	vst v63  }
0xae: {  	_ = 	snop  }
0xaf: {  	[tilespmem:s10], [sflag:$0x1] =	stream.indirect_vreg.gather [hbm4b:s1+s3], $0x80, v3, vm0, $0xb8;
	[tilespmem:$0xA800] =	vst v63  }
0xb0: {  	v3 =	vld [tilespmem:s11+$0x70];
	_ =	sdelay $0x4  }
0xb1: {  	v60 =	vshll.u32 v3, $0x1  }
0xb2: {  	v3 =	vand.u32 $0x7, v3;
	v4 =	vand.u32 $0xFFFFFFF0, v60  }
0xb3: {  	v3 =	vor.u32 v3, v4  }
0xb4: {  	v4 =	vperm.xlane v3, v0;
	_ =	sdelay $0x1  }
0xb5: {  	v3 =	vperm.xlane v3, v2;
	v4 =	vadd.s32 v1, v4;
	_ =	sdelay $0x1  }
0xb6: {  	v3 =	vadd.s32 v1, v3;
	_ =	sdelay $0x2  }
0xb7: {  	[tilespmem:s13], [sflag:$0x1] =	stream.indirect_vreg.gather [hbm4b:s1+s3], $0x80, v4, vm0, $0xb8;
	[tilespmem:$0xA800] =	vst v63  }
0xb8: {  	_ = 	snop  }
0xb9: {  	[tilespmem:s14], [sflag:$0x1] =	stream.indirect_vreg.gather [hbm4b:s1+s3], $0x80, v3, vm0, $0xb8;
	[tilespmem:$0xA800] =	vst v63  }
0xba: {  	v3 =	vld [tilespmem:s11+$0x80];
	_ =	sdelay $0x4  }
0xbb: {  	v61 =	vshll.u32 v3, $0x1  }
0xbc: {  	v3 =	vand.u32 $0x7, v3;
	v4 =	vand.u32 $0xFFFFFFF0, v61  }
0xbd: {  	v3 =	vor.u32 v3, v4  }
0xbe: {  	v4 =	vperm.xlane v3, v0;
	_ =	sdelay $0x1  }
0xbf: {  	v3 =	vperm.xlane v3, v2;
	v4 =	vadd.s32 v1, v4;
	_ =	sdelay $0x1  }
0xc0: {  	v3 =	vadd.s32 v1, v3;
	_ =	sdelay $0x2  }
0xc1: {  	[tilespmem:s15], [sflag:$0x1] =	stream.indirect_vreg.gather [hbm4b:s1+s3], $0x80, v4, vm0, $0xb8;
	[tilespmem:$0xA800] =	vst v63  }
0xc2: {  	_ = 	snop  }
0xc3: {  	[tilespmem:s16], [sflag:$0x1] =	stream.indirect_vreg.gather [hbm4b:s1+s3], $0x80, v3, vm0, $0xb8;
	[tilespmem:$0xA800] =	vst v63  }
0xc4: {  	v3 =	vld [tilespmem:s11+$0x90];
	_ =	sdelay $0x4  }
0xc5: {  	v62 =	vshll.u32 v3, $0x1  }
0xc6: {  	v3 =	vand.u32 $0x7, v3;
	v4 =	vand.u32 $0xFFFFFFF0, v62  }
0xc7: {  	v3 =	vor.u32 v3, v4  }
0xc8: {  	v4 =	vperm.xlane v3, v0;
	_ =	sdelay $0x1  }
0xc9: {  	v3 =	vperm.xlane v3, v2;
	v4 =	vadd.s32 v1, v4;
	_ =	sdelay $0x1  }
0xca: {  	v3 =	vadd.s32 v1, v3;
	_ =	sdelay $0x2  }
0xcb: {  	[tilespmem:s17], [sflag:$0x1] =	stream.indirect_vreg.gather [hbm4b:s1+s3], $0x80, v4, vm0, $0xb8;
	[tilespmem:$0xA800] =	vst v63  }
0xcc: {  	_ = 	snop  }
0xcd: {  	[tilespmem:s18], [sflag:$0x1] =	stream.indirect_vreg.gather [hbm4b:s1+s3], $0x80, v3, vm0, $0xb8;
	[tilespmem:$0xA800] =	vst v63  }
0xce: {  	v3 =	vld [tilespmem:s11+$0xA0];
	_ =	sdelay $0x4  }
0xcf: {  	v63 =	vshll.u32 v3, $0x1  }
0xd0: {  	v3 =	vand.u32 $0x7, v3;
	v4 =	vand.u32 $0xFFFFFFF0, v63  }
0xd1: {  	v3 =	vor.u32 v3, v4  }
0xd2: {  	v4 =	vperm.xlane v3, v0;
	_ =	sdelay $0x1  }
0xd3: {  	v3 =	vperm.xlane v3, v2;
	v4 =	vadd.s32 v1, v4;
	_ =	sdelay $0x1  }
0xd4: {  	v3 =	vadd.s32 v1, v3  }
.Ltmp6:
0xd5: {  	_ = 	snop;
	(pc) =	sbr.rel .LBB2_6-.Ltmp6, $4  }
0xd6: {  	_ = 	snop  }
0xd7: {  	[tilespmem:s19], [sflag:$0x1] =	stream.indirect_vreg.gather [hbm4b:s1+s3], $0x80, v4, vm0, $0xb8;
	[tilespmem:$0xA800] =	vst v63  }
0xd8: {  	_ = 	snop  }
0xd9: {  	[tilespmem:s20], [sflag:$0x1] =	stream.indirect_vreg.gather [hbm4b:s1+s3], $0x80, v3, vm0, $0xb8;
	[tilespmem:$0xA800] =	vst v63  }
.LBB2_8:
0xda: {  	_ =	sfence.sel $0x180000  }
0xdb: {  	[bflag:$0x0] =	sbarrier.arrive $0xFFFF  }
0xdc: {  	_ =	strace $0x9000004A  }
0xdd: {  	s0 =	stileid.u32;
	[bflag:$0x2] =	sbarrier.arrive $0xFFFF  }
0xde: {  	p0 =	sne.s32 s0, $0x0;
	s0 =	rddreg [dreg:$0x2]  }
0xdf: {  	s0 =	sadd.s32 @!p0 $0x100000, s0  }
0xe0: {  	[sflag:s0] =	ssyncadd.tile.s32 @!p0 $0x1;
	_ =	shalt  }
.Lfunc_end2:
_tile_overlayer_lowered:
.L_overlay_start_2:
0xe1: {  	(tag) =	ssettag $0x2  }
0xe2: {  	s0 =	rddreg [dreg:$0x0];
	s2 =	stileid.u32  }
0xe3: {  	s1 =	rddreg [dreg:$0x1];
	p0 =	sne.s32 s2, $0x0  }
0xe4: {  	s3 =	rddreg [dreg:$0x2];
	[bflag:$0x3] =	sbarrier.arrive $0xFFFF;
	s2 =	simm.s32 @!p0 $0x1C05  }
0xe5: {  	[timem:s3], [sflag:s2] =	dma.local @!p0 [hbm:s0], s1  }
0xe6: {  	s0 =	simm.s32 @!p0 $0x5  }
0xe7: {  	_ =	swait.ge @!p0 [sflag:s0], s1  }
0xe8: {  	s1 =	ssub.s32 @!p0 $0x0, s1;
	[sflag:s0] =	ssyncset.done @!p0 $0x0  }
0xe9: {  	[sflag:s0] =	ssyncadd.s32 @!p0 s1  }
0xea: {  	[bflag:$0x3] =	sbarrier.arrive $0xFFFF  }
0xeb: {  	_ =	shalt  }

// kernel: kernel.14.cloned.1.call-start
scs
__scs_entry_jumppad:
0x0: {  	(pc) =	sbr.rel $0x88, $3  }
0x1: {  	(tag) =	ssettag $0x0;
	lr =	simm.s32 $0x1  }
0x2: {  	[smem:$0x3F9A] =	sst lr;
	_ =	strace $0xD0000000  }
0x3: {  	_ = 	snop  }
0x4: {  	_ = 	snop  }
0x5: {  	_ = 	snop  }
0x6: {  	_ = 	snop  }
0x7: {  	_ = 	snop  }
__scs_overlays_trampoline_lowered:
0x8: {  	[smem:$0x3FA9] =	sst s0  }
0x9: {  	[smem:$0x3FAA] =	sst s1  }
0xa: {  	[smem:$0x3FAB] =	sst s2  }
0xb: {  	[smem:$0x3FAC] =	sst s3  }
0xc: {  	[smem:$0x3FAD] =	sst s4  }
0xd: {  	[smem:$0x3FAE] =	sst s5  }
0xe: {  	[smem:$0x3FAF] =	sst s6  }
0xf: {  	[smem:$0x3FB0] =	sst s7  }
0x10: {  	[smem:$0x3FB1] =	sst s8  }
0x11: {  	[smem:$0x3FB2] =	sst s9;
	s0 =	simm.s32 @!p0 $0x0  }
0x12: {  	s1 =	sld [smem:$0x3F98];
	s0 =	simm.s32 @p0 $0x1  }
0x13: {  	[smem:$0x3FB3] =	sst s0;
	s0 =	simm.s32 @!p1 $0x0  }
0x14: {  	s2 =	sld [smem:$0x3F97];
	s0 =	simm.s32 @p1 $0x1  }
0x15: {  	[smem:$0x3FB4] =	sst s0;
	s0 =	simm.s32 @!p2 $0x0  }
0x16: {  	s3 =	sld [smem:$0x3FDB];
	s0 =	simm.s32 @p2 $0x1  }
0x17: {  	s4 =	simm.s32 $0x1BF5;
	[smem:$0x3FB6] =	sst s0  }
0x18: {  	s0 =	sld [smem:$0x3F99];
	_ =	swait.ge [sflag:s4], $0x0  }
0x19: {  	s7 =	sld [smem:$0x3F9A]  }
0x1a: {  	s8 =	sadd.s32 $0xFFFFE003, lr  }
0x1b: {  	s9 =	sadd.s32 $0xFFFFFEF7, lr;
	s5 =	simm.s32 $0xFFFFFFFF;
	p2 =	slt.u32 s8, $0xFFFFF086  }
0x1c: {  	p1 =	slt.u32 s9, $0xF7A;
	s5 =	simm.s32 @!p2 $0x0  }
0x1d: {  	s5 =	simm.s32 @p1 $0x1;
	p0 =	seq.s32 s7, s2  }
0x1e: {  	s7 =	smul.u32 @!p0 $0xF7A, s2;
	p2 =	seq.s32 @!p0 s5, $0x0  }
0x1f: {  	s9 =	smul.u32 $0xF7A, s1;
	s8 =	simm.s32 @!p0 $0x1BF5;
	p2 =	por !p2, p0  }
0x20: {  	[sflag:s8] =	ssyncset.s32 @!p0 $0xFFFFF086;
	s6 =	sadd.s32 @!p0 s3, s7;
	s7 =	simm.s32 @!p0 $0x108  }
0x21: {  	s3 =	sadd.s32 s3, s9;
	s6 =	sadd.s32 @!p0 $0x88, s6;
	s7 =	simm.s32 @p2 $0x1082  }
0x22: {  	[simem:s7], [sflag:s8] =	dma.local @!p0 [hbm:s6], $0xF7A  }
0x23: {  	s9 =	sor.u32 $0xD0000000, s2;
	s6 =	simm.s32 $0x108;
	_ =	swait.ge @!p0 [sflag:s8], $0x0  }
0x24: {  	s3 =	sadd.s32 $0x88, s3;
	s6 =	simm.s32 @!p1 $0x1082;
	[sflag:s4] =	ssyncset.s32 $0xFFFFF086  }
0x25: {  	[simem:s6], [sflag:s4] =	dma.local [hbm:s3], $0xF7A  }
0x26: {  	[smem:$0x3F9A] =	sst s1;
	(tag) =	ssettag s2;
	_ =	strace s9  }
0x27: {  	s1 =	sld [smem:$0x3FAA]  }
0x28: {  	s2 =	sld [smem:$0x3FAB]  }
0x29: {  	s4 =	sld [smem:$0x3FAD]  }
0x2a: {  	p0 =	seq.s32 s5, $0x0;
	s5 =	sld [smem:$0x3FAE]  }
0x2b: {  	s6 =	sld [smem:$0x3FAF]  }
0x2c: {  	s7 =	sld [smem:$0x3FB0]  }
0x2d: {  	s3 =	simm.s32 $0x108;
	s8 =	sld [smem:$0x3FB1]  }
0x2e: {  	s3 =	simm.s32 @!p0 $0x1082;
	s9 =	sld [smem:$0x3FB2]  }
0x2f: {  	lr =	sadd.s32 s0, s3;
	s0 =	sld [smem:$0x3FA9]  }
0x30: {  	s3 =	sld [smem:$0x3FAC]  }
0x31: {  	[smem:$0x3FB5] =	sst s10  }
0x32: {  	s10 =	sld [smem:$0x3FB3];
	_ =	sdelay $0x3  }
0x33: {  	p0 =	seq.s32 s10, $0x1;
	s10 =	sld [smem:$0x3FB5];
	_ =	sdelay $0x3  }
0x34: {  	[smem:$0x3FB5] =	sst s10  }
0x35: {  	s10 =	sld [smem:$0x3FB4];
	_ =	sdelay $0x3  }
0x36: {  	p1 =	seq.s32 s10, $0x1;
	s10 =	sld [smem:$0x3FB5];
	_ =	sdelay $0x3  }
0x37: {  	[smem:$0x3FB5] =	sst s10  }
0x38: {  	s10 =	sld [smem:$0x3FB6]  }
0x39: {  	_ = 	snop;
	(pc) =	sbr.ind lr, $3  }
0x3a: {  	_ = 	snop  }
0x3b: {  	_ = 	snop  }
0x3c: {  	p2 =	seq.s32 s10, $0x1;
	s10 =	sld [smem:$0x3FB5]  }
0x3d: {  	_ =	shalt  }
0x3e: {  	_ =	shalt  }
0x3f: {  	_ =	shalt  }
0x40: {  	_ =	shalt  }
0x41: {  	_ =	shalt  }
0x42: {  	_ =	shalt  }
0x43: {  	_ =	shalt  }
0x44: {  	_ =	shalt  }
0x45: {  	_ =	shalt  }
0x46: {  	_ =	shalt  }
0x47: {  	_ =	shalt  }
0x48: {  	_ =	shalt  }
0x49: {  	_ =	shalt  }
0x4a: {  	_ =	shalt  }
0x4b: {  	_ =	shalt  }
0x4c: {  	_ =	shalt  }
0x4d: {  	_ =	shalt  }
0x4e: {  	_ =	shalt  }
0x4f: {  	_ =	shalt  }
0x50: {  	_ =	shalt  }
0x51: {  	_ =	shalt  }
0x52: {  	_ =	shalt  }
0x53: {  	_ =	shalt  }
0x54: {  	_ =	shalt  }
0x55: {  	_ =	shalt  }
0x56: {  	_ =	shalt  }
0x57: {  	_ =	shalt  }
0x58: {  	_ =	shalt  }
0x59: {  	_ =	shalt  }
0x5a: {  	_ =	shalt  }
0x5b: {  	_ =	shalt  }
0x5c: {  	_ =	shalt  }
0x5d: {  	_ =	shalt  }
0x5e: {  	_ =	shalt  }
0x5f: {  	_ =	shalt  }
0x60: {  	_ =	shalt  }
0x61: {  	_ =	shalt  }
0x62: {  	_ =	shalt  }
0x63: {  	_ =	shalt  }
0x64: {  	_ =	shalt  }
0x65: {  	_ =	shalt  }
0x66: {  	_ =	shalt  }
0x67: {  	_ =	shalt  }
0x68: {  	_ =	shalt  }
0x69: {  	_ =	shalt  }
0x6a: {  	_ =	shalt  }
0x6b: {  	_ =	shalt  }
0x6c: {  	_ =	shalt  }
0x6d: {  	_ =	shalt  }
0x6e: {  	_ =	shalt  }
0x6f: {  	_ =	shalt  }
0x70: {  	_ =	shalt  }
0x71: {  	_ =	shalt  }
0x72: {  	_ =	shalt  }
0x73: {  	_ =	shalt  }
0x74: {  	_ =	shalt  }
0x75: {  	_ =	shalt  }
0x76: {  	_ =	shalt  }
0x77: {  	_ =	shalt  }
0x78: {  	_ =	shalt  }
0x79: {  	_ =	shalt  }
0x7a: {  	_ =	shalt  }
0x7b: {  	_ =	shalt  }
0x7c: {  	_ =	shalt  }
0x7d: {  	_ =	shalt  }
0x7e: {  	_ =	shalt  }
0x7f: {  	_ =	shalt  }
0x80: {  	_ =	shalt  }
0x81: {  	_ =	shalt  }
0x82: {  	_ =	shalt  }
0x83: {  	_ =	shalt  }
0x84: {  	_ =	shalt  }
0x85: {  	_ =	shalt  }
0x86: {  	_ =	shalt  }
0x87: {  	_ =	shalt  }
.Lfunc_end0:
.L_simem_size_0:
called_computation.2_lowered:
.L_overlay_start_0:
0x88: {  	s2 =	sld [smem:$0x3FD9]  }
0x89: {  	s3 =	sld [smem:$0x3FFE];
	_ =	sdelay $0x1  }
0x8a: {  	s1 =	srdreg.scid  }
0x8b: {  	s0 =	sand.u32 $0x1, s1  }
0x8c: {  	s17 =	sshll.u32 s0, $0xA;
	s2 =	sadd.s32 s3, s2  }
0x8d: {  	s2 =	sadd.s32 s2, s17  }
0x8e: {  	[smem:$0x3FC1] =	sst s2  }
0x8f: {  	_ = 	snop  }
0x90: {  	s18 =	sld [smem:$0x3FC8];
	(tm) =	ssettm $0x1  }
0x91: {  	s19 =	sld [smem:$0x3FFB];
	_ =	sdelay $0x3  }
0x92: {  	_ =	strace s19  }
0x93: {  	s2 =	sld [smem:$0x3FFC];
	_ =	sdelay $0x3  }
0x94: {  	_ =	strace s2  }
0x95: {  	s2 =	sld [smem:$0x3FFD];
	_ =	sdelay $0x3  }
0x96: {  	_ =	strace s2  }
0x97: {  	_ =	strace $0x8FFFFFFF  }
0x98: {  	s20 =	sld [smem:$0x3FDB];
	_ =	sdelay $0x1  }
0x99: {  	s4 =	simm.s32 $_scs_section_size  }
0x9a: {  	s5 =	simm.s32 $_size__tile_overlayer_lowered;
	s6 =	simm.s32 $_tile_overlayer_lowered  }
0x9b: {  	s7 =	simm.s32 $0x1BFF;
	s21 =	sshll.u32 s6, $0x1;
	s4 =	sadd.s32 s4, s20  }
0x9c: {  	s22 =	simm.s32 $0x0;
	s5 =	sshll.u32 s5, $0x1;
	s6 =	sadd.s32 s21, s4  }
0x9d: {  	[timem:s22], [sflag:s7] =	dma.local [hbm:s6], s5  }
0x9e: {  	_ =	swait.ge [sflag:s7], s5  }
0x9f: {  	s5 =	ssub.s32 $0x0, s5;
	[sflag:s7] =	ssyncset.done $0x0  }
0xa0: {  	[sflag:s7] =	ssyncadd.s32 s5;
	_ =	sdelay $0x1  }
0xa1: {  	s23 =	simm.s32 $0x1B8B  }
0xa2: {  	_ =	swait.ge [sflag:s23], $0x1  }
0xa3: {  	[sflag:s23] =	ssyncset.done $0x0  }
0xa4: {  	[sflag:s23] =	ssyncadd.s32 $0xFFFFFFFF  }
0xa5: {  	s5 =	sld [smem:$0x0]  }
0xa6: {  	s6 =	sand.u32 $0xFFFFFFFE, s1  }
0xa7: {  	p0 =	sne.s32 s1, s6  }
0xa8: {  	s6 =	sshll.u32 @p0 s6, $0xE  }
0xa9: {  	s6 =	sadd.s32 @p0 $0x11B8D, s6;
	s7 =	sshll.u32 @p0 s5, $0x11  }
0xaa: {  	s6 =	sor.u32 @p0 s7, s6  }
0xab: {  	[sflag:s6] =	ssyncadd.remote.s32 @p0 $0x1;
	_ =	sdelay $0x1  }
0xac: {  	s6 =	simm.s32 @p0 $0x1B8D  }
0xad: {  	_ =	swait.eq @p0 [sflag:s6], $0x1  }
0xae: {  	[sflag:s6] =	ssyncadd.s32 @p0 $0xFFFFFFFF  }
0xaf: {  	s7 =	sshll.u32 @!p0 s1, $0xE  }
0xb0: {  	s7 =	sor.u32 @!p0 $0x4000, s7;
	s6 =	simm.s32 @!p0 $0x1B8D  }
0xb1: {  	s5 =	sshll.u32 @!p0 s5, $0x11;
	s7 =	sadd.s32 @!p0 $0x11B8D, s7;
	_ =	swait.eq @!p0 [sflag:s6], $0x1  }
0xb2: {  	s5 =	sor.u32 @!p0 s5, s7;
	[sflag:s6] =	ssyncadd.s32 @!p0 $0xFFFFFFFF  }
0xb3: {  	s25 =	simm.s32 $0x1B8E;
	s24 =	sld [smem:$0x3FFE];
	[sflag:s5] =	ssyncadd.remote.s32 @!p0 $0x1  }
0xb4: {  	s26 =	simm.s32 $execute0_lowered;
	[smem:$0x3FD2] =	sst s25  }
0xb5: {  	s6 =	sshll.u32 s26, $0x1;
	_ =	strace $0x8000004C;
	[dreg:$0x1] =	wrdreg $0xFFFFFFFF  }
0xb6: {  	s28 =	simm.s32 $_size_execute0_lowered;
	s4 =	sadd.s32 s4, s6;
	[dreg:$0x0] =	wrdreg $0x0  }
0xb7: {  	s6 =	sshll.u32 s28, $0x1;
	[dreg:$0x2] =	wrdreg s4  }
0xb8: {  	[dreg:$0x3] =	wrdreg s6  }
0xb9: {  	[dreg:$0x4] =	wrdreg $0xC0  }
0xba: {  	_ =	task [dreg:s22], $0x5FFFF  }
0xbb: {  	[dreg:$0x1] =	wrdreg $0xFFFFFFFF  }
0xbc: {  	[dreg:$0x0] =	wrdreg $0x60  }
0xbd: {  	[dreg:$0x2] =	wrdreg s24  }
0xbe: {  	[dreg:$0x3] =	wrdreg s18  }
0xbf: {  	[dreg:$0x4] =	wrdreg $0xB  }
0xc0: {  	_ =	task.clear_ibuf [dreg:s22], $0x5FFFF;
	_ =	strace $0x9000004C  }
0xc1: {  	s29 =	simm.s32 $0xB;
	_ =	strace $0x8000004E  }
0xc2: {  	_ =	swait.ge [sflag:s29], $0x1  }
0xc3: {  	[sflag:s29] =	ssyncadd.s32 $0xFFFFFFFF  }
0xc4: {  	_ =	strace $0x9000004E  }
0xc5: {  	_ =	sfence  }
0xc6: {  	s30 =	sld [smem:$0x0];
	_ =	sdelay $0x2  }
0xc7: {  	s31 =	sshll.u32 s1, $0xD;
	s1 =	sshrl.u32 s1, $0x2  }
0xc8: {  	s4 =	sand.u32 $0x4000, s31;
	s1 =	sadd.s32 s1, s30  }
0xc9: {  	s0 =	sor.u32 s4, s0;
	s1 =	sshll.u32 s1, $0x11  }
0xca: {  	s0 =	sor.u32 s1, s0  }
0xcb: {  	s0 =	sadd.s32 $0x8F2B, s0  }
0xcc: {  	[sflag:s0] =	ssyncadd.remote.s32 $0x1  }
0xcd: {  	_ =	sfence.sel $0xFFFF  }
0xce: {  	[dreg:$0x0] =	wrdreg $0xFFFFFFFF;
	(pc) =	sbr.abs _section_cstart, $3  }
0xcf: {  	[dreg:$0x1] =	wrdreg $0xFFFFFFFF  }
0xd0: {  	_ =	task.clear_ibuf [dreg:s22], $0x2FFFF;
	_ =	strace $0x9FFFFFFF  }
0xd1: {  	(tm) =	ssettm $0x7FFFFFFF  }
tec
execute0_lowered:
.L_overlay_start_1:
0x0: {  	(tag) =	ssettag $0x1  }
0x1: {  	s0 =	rddreg [dreg:$0x0]  }
0x2: {  	s1 =	rddreg [dreg:$0x1];
	s3 =	simm.s32 $0x0;
	s2 =	srdreg.scid  }
0x3: {  	s5 =	stileid.u32;
	s10 =	simm.s32 $0x1000;
	s12 =	simm.s32 $0x800  }
0x4: {  	s13 =	simm.s32 $0x1800;
	s14 =	simm.s32 $0x2000;
	s15 =	simm.s32 $0x2800  }
0x5: {  	s16 =	simm.s32 $0x3000;
	s17 =	simm.s32 $0x3800;
	s18 =	simm.s32 $0x4000  }
0x6: {  	s19 =	simm.s32 $0x4800;
	s20 =	simm.s32 $0x5000;
	s21 =	simm.s32 $0x1  }
0x7: {  	s22 =	simm.s32 $0x5800;
	s23 =	simm.s32 $0x6000;
	s24 =	simm.s32 $0x6800  }
0x8: {  	s28 =	simm.s32 $0x8000;
	s29 =	simm.s32 $0x8800;
	s30 =	simm.s32 $0x9000  }
0x9: {  	s31 =	simm.s32 $0x9800;
	s2 =	sand.u32 $0x1, s2;
	s4 =	sshll.u32 s5, $0x1  }
0xa: {  	[smem:$0x7FF] =	sst s3;
	s5 =	smul.u32 $0x1400, s5;
	s6 =	sor.u32 s2, s4  }
0xb: {  	_ =	strace $0x8000004D;
	s7 =	ssub.s32 $0x2, s2;
	s8 =	sshll.u32 s6, $0x4  }
0xc: {  	s2 =	smul.u32 $0xA00, s2;
	s9 =	sshrl.u32 s7, $0x1;
	s8 =	sadd.s32 s8, s0  }
0xd: {  	s0 =	sadd.s32 s5, s0;
	s7 =	ssub.s32 s7, s9;
	s5 =	ssub.s32 $0x1F4, s4  }
.Ltmp0:
0xe: {  	s9 =	simm.s32 $0x3;
	s25 =	sadd.s32 $0x13D200, s8;
	(pc) =	sbr.rel .LBB2_1-.Ltmp0, $4  }
0xf: {  	s0 =	sadd.s32 s2, s0;
	s26 =	smax.u32 s7, $0x1;
	s8 =	sor.u32 $0x20, s6  }
0x10: {  	v2 =	vlaneseq.u32;
	s2 =	simm.s32 $0x2;
	s7 =	simm.s32 $0x0;
	[dreg:$0x3] =	wrdreg s25  }
0x11: {  	vm0 =	vmmov $0xffff;
	v1 =	vshrl.u32 v2, $0x3;
	[dreg:$0x4] =	wrdreg s26;
	s0 =	sadd.s32 $0x13F200, s0;
	s25 =	simm.s32 $0x7000  }
0x12: {  	v0 =	vand.u32 $0x7, v2;
	v2 =	vor.u32 $0x8, v2;
	v1 =	vmul.u32 $0x8, v1;
	s26 =	simm.s32 $0x7800;
	[dreg:$0x5] =	wrdreg s0;
	s0 =	simm.s32 $0xA000  }
.LBB2_7:
0x13: {  	_ =	swait.ge [sflag:s9], $0x5000  }
0x14: {  	[sflag:s9] =	ssyncset.done $0x0  }
0x15: {  	s6 =	simm.s32 $0x4;
	[sflag:s9] =	ssyncadd.s32 $0xFFFFB000  }
0x16: {  	_ =	swait.ge [sflag:s6], $0x5000  }
0x17: {  	s7 =	rddreg [dreg:$0x6]  }
0x18: {  	s4 =	rddreg [dreg:$0x4];
	s7 =	sadd.s32 $0x1, s7  }
0x19: {  	p0 =	sne.s32 s7, s4  }
.Ltmp1:
0x1a: {  	_ = 	snop;
	(pc) =	sbr.rel @!p0 .LBB2_8-.Ltmp1, $3  }
0x1b: {  	_ =	sdelay $0x1  }
0x1c: {  	[sflag:s6] =	ssyncset.done $0x0  }
0x1d: {  	[sflag:s6] =	ssyncadd.s32 $0xFFFFB000  }
.LBB2_1:
0x1e: {  	[dreg:$0x6] =	wrdreg s7  }
0x1f: {  	s4 =	rddreg [dreg:$0x3];
	s6 =	simm.s32 $0x80;
	s11 =	simm.s32 $0x5  }
0x20: {  	[tilespmem:s3], [sflag:$0x5] =	stream.strided.gather [hbm4b:s4+s6], $0x800, s10, s6, $0x38;
	[tilespmem:$0xA800] =	vst v63  }
0x21: {  	_ =	swait.ge [sflag:s11], $0x800  }
0x22: {  	[sflag:s11] =	ssyncset.done $0x0  }
0x23: {  	[sflag:s11] =	ssyncadd.s32 $0xFFFFF800  }
0x24: {  	v3 =	vld [tilespmem:$0x0];
	_ =	sdelay $0x4  }
0x25: {  	v4 =	vshll.u32 v3, $0x1  }
0x26: {  	v3 =	vand.u32 $0x7, v3;
	v4 =	vand.u32 $0xFFFFFFF0, v4  }
0x27: {  	v3 =	vor.u32 v3, v4  }
0x28: {  	v4 =	vperm.xlane v3, v0;
	_ =	sdelay $0x1  }
0x29: {  	v3 =	vperm.xlane v3, v2;
	v4 =	vadd.s32 v1, v4;
	_ =	sdelay $0x1  }
0x2a: {  	v3 =	vadd.s32 v1, v3;
	_ =	sdelay $0x2  }
0x2b: {  	[tilespmem:s12], [sflag:$0x1] =	stream.indirect_vreg.gather [hbm4b:s1+s3], $0x80, v4, vm0, $0xb8;
	[tilespmem:$0xA800] =	vst v63  }
0x2c: {  	_ = 	snop  }
0x2d: {  	[tilespmem:s10], [sflag:$0x1] =	stream.indirect_vreg.gather [hbm4b:s1+s3], $0x80, v3, vm0, $0xb8;
	[tilespmem:$0xA800] =	vst v63  }
0x2e: {  	v3 =	vld [tilespmem:$0x10];
	_ =	sdelay $0x4  }
0x2f: {  	v60 =	vshll.u32 v3, $0x1  }
0x30: {  	v3 =	vand.u32 $0x7, v3;
	v4 =	vand.u32 $0xFFFFFFF0, v60  }
0x31: {  	v3 =	vor.u32 v3, v4  }
0x32: {  	v4 =	vperm.xlane v3, v0;
	_ =	sdelay $0x1  }
0x33: {  	v3 =	vperm.xlane v3, v2;
	v4 =	vadd.s32 v1, v4;
	_ =	sdelay $0x1  }
0x34: {  	v3 =	vadd.s32 v1, v3;
	_ =	sdelay $0x2  }
0x35: {  	[tilespmem:s13], [sflag:$0x1] =	stream.indirect_vreg.gather [hbm4b:s1+s3], $0x80, v4, vm0, $0xb8;
	[tilespmem:$0xA800] =	vst v63  }
0x36: {  	_ = 	snop  }
0x37: {  	[tilespmem:s14], [sflag:$0x1] =	stream.indirect_vreg.gather [hbm4b:s1+s3], $0x80, v3, vm0, $0xb8;
	[tilespmem:$0xA800] =	vst v63  }
0x38: {  	v3 =	vld [tilespmem:$0x20];
	_ =	sdelay $0x4  }
0x39: {  	v61 =	vshll.u32 v3, $0x1  }
0x3a: {  	v3 =	vand.u32 $0x7, v3;
	v4 =	vand.u32 $0xFFFFFFF0, v61  }
0x3b: {  	v3 =	vor.u32 v3, v4  }
0x3c: {  	v4 =	vperm.xlane v3, v0;
	_ =	sdelay $0x1  }
0x3d: {  	v3 =	vperm.xlane v3, v2;
	v4 =	vadd.s32 v1, v4;
	_ =	sdelay $0x1  }
0x3e: {  	v3 =	vadd.s32 v1, v3;
	_ =	sdelay $0x2  }
0x3f: {  	[tilespmem:s15], [sflag:$0x1] =	stream.indirect_vreg.gather [hbm4b:s1+s3], $0x80, v4, vm0, $0xb8;
	[tilespmem:$0xA800] =	vst v63  }
0x40: {  	_ = 	snop  }
0x41: {  	[tilespmem:s16], [sflag:$0x1] =	stream.indirect_vreg.gather [hbm4b:s1+s3], $0x80, v3, vm0, $0xb8;
	[tilespmem:$0xA800] =	vst v63  }
0x42: {  	v3 =	vld [tilespmem:$0x30];
	_ =	sdelay $0x4  }
0x43: {  	v62 =	vshll.u32 v3, $0x1  }
0x44: {  	v3 =	vand.u32 $0x7, v3;
	v4 =	vand.u32 $0xFFFFFFF0, v62  }
0x45: {  	v3 =	vor.u32 v3, v4  }
0x46: {  	v4 =	vperm.xlane v3, v0;
	_ =	sdelay $0x1  }
0x47: {  	v3 =	vperm.xlane v3, v2;
	v4 =	vadd.s32 v1, v4;
	_ =	sdelay $0x1  }
0x48: {  	v3 =	vadd.s32 v1, v3;
	_ =	sdelay $0x2  }
0x49: {  	[tilespmem:s17], [sflag:$0x1] =	stream.indirect_vreg.gather [hbm4b:s1+s3], $0x80, v4, vm0, $0xb8;
	[tilespmem:$0xA800] =	vst v63  }
0x4a: {  	_ = 	snop  }
0x4b: {  	[tilespmem:s18], [sflag:$0x1] =	stream.indirect_vreg.gather [hbm4b:s1+s3], $0x80, v3, vm0, $0xb8;
	[tilespmem:$0xA800] =	vst v63  }
0x4c: {  	v3 =	vld [tilespmem:$0x40];
	_ =	sdelay $0x4  }
0x4d: {  	v63 =	vshll.u32 v3, $0x1  }
0x4e: {  	v3 =	vand.u32 $0x7, v3;
	v4 =	vand.u32 $0xFFFFFFF0, v63  }
0x4f: {  	v3 =	vor.u32 v3, v4  }
0x50: {  	v4 =	vperm.xlane v3, v0;
	_ =	sdelay $0x1  }
0x51: {  	v3 =	vperm.xlane v3, v2;
	v4 =	vadd.s32 v1, v4;
	_ =	sdelay $0x1  }
0x52: {  	v3 =	vadd.s32 v1, v3  }
.Ltmp2:
0x53: {  	_ = 	snop;
	(pc) =	sbr.rel .LBB2_2-.Ltmp2, $4  }
0x54: {  	_ = 	snop  }
0x55: {  	[tilespmem:s19], [sflag:$0x1] =	stream.indirect_vreg.gather [hbm4b:s1+s3], $0x80, v4, vm0, $0xb8;
	[tilespmem:$0xA800] =	vst v63  }
0x56: {  	s7 =	simm.s32 $0x40;
	s4 =	rddreg [dreg:$0x5];
	s11 =	simm.s32 $0xA0  }
0x57: {  	[tilespmem:s20], [sflag:$0x1] =	stream.indirect_vreg.gather [hbm4b:s1+s3], $0x80, v3, vm0, $0xb8;
	[tilespmem:$0xA800] =	vst v63  }
.LBB2_6:
0x58: {  	s7 =	sadd.s32 $0x40, s7  }
0x59: {  	p0 =	sne.s32 s7, $0x240  }
.Ltmp3:
0x5a: {  	_ = 	snop;
	(pc) =	sbr.rel @!p0 .LBB2_7-.Ltmp3, $2  }
0x5b: {  	_ =	sdelay $0x2  }
0x5c: {  	s4 =	sadd.s32 $0x28000, s4;
	s11 =	sadd.s32 $0x100, s11  }
.LBB2_2:
0x5d: {  	s6 =	sadd.s32 s7, s8  }
0x5e: {  	s6 =	sadd.s32 $0xFFFFFFC0, s6  }
0x5f: {  	p0 =	sgt.u32 s6, $0x1F3  }
.Ltmp4:
0x60: {  	_ = 	snop;
	(pc) =	sbr.rel @p0 .LBB2_4-.Ltmp4, $4  }
0x61: {  	_ =	swait.ge [sflag:s21], $0x5000  }
0x62: {  	[sflag:s21] =	ssyncset.done $0x0  }
0x63: {  	[sflag:s21] =	ssyncadd.s32 $0xFFFFB000  }
0x64: {  	[hbm4b:s4+s3] =	stream.linear.scatter [tilespmem:s12], [sflag:$0x3], $0x5000, $0x38;
	[tilespmem:$0xA800] =	vst v63  }
0x65: {  	p0 =	seq.s32 s7, $0x40  }
0x66: {  	s6 =	simm.s32 @!p0 $0x4  }
0x67: {  	_ =	swait.ge @!p0 [sflag:s6], $0x5000  }
0x68: {  	[sflag:s6] =	ssyncset.done @!p0 $0x0  }
0x69: {  	[sflag:s6] =	ssyncadd.s32 @!p0 $0xFFFFB000  }
0x6a: {  	v3 =	vld [tilespmem:s11+$0xFFFFFFE0];
	_ =	sdelay $0x4  }
0x6b: {  	v4 =	vshll.u32 v3, $0x1  }
0x6c: {  	v3 =	vand.u32 $0x7, v3;
	v4 =	vand.u32 $0xFFFFFFF0, v4  }
0x6d: {  	v3 =	vor.u32 v3, v4  }
0x6e: {  	v4 =	vperm.xlane v3, v0;
	_ =	sdelay $0x1  }
0x6f: {  	v3 =	vperm.xlane v3, v2;
	v4 =	vadd.s32 v1, v4;
	_ =	sdelay $0x1  }
0x70: {  	v3 =	vadd.s32 v1, v3;
	_ =	sdelay $0x2  }
0x71: {  	[tilespmem:s22], [sflag:$0x2] =	stream.indirect_vreg.gather [hbm4b:s1+s3], $0x80, v4, vm0, $0xb8;
	[tilespmem:$0xA800] =	vst v63  }
0x72: {  	_ = 	snop  }
0x73: {  	[tilespmem:s23], [sflag:$0x2] =	stream.indirect_vreg.gather [hbm4b:s1+s3], $0x80, v3, vm0, $0xb8;
	[tilespmem:$0xA800] =	vst v63  }
0x74: {  	v3 =	vld [tilespmem:s11+$0xFFFFFFF0];
	_ =	sdelay $0x4  }
0x75: {  	v60 =	vshll.u32 v3, $0x1  }
0x76: {  	v3 =	vand.u32 $0x7, v3;
	v4 =	vand.u32 $0xFFFFFFF0, v60  }
0x77: {  	v3 =	vor.u32 v3, v4  }
0x78: {  	v4 =	vperm.xlane v3, v0;
	_ =	sdelay $0x1  }
0x79: {  	v3 =	vperm.xlane v3, v2;
	v4 =	vadd.s32 v1, v4;
	_ =	sdelay $0x1  }
0x7a: {  	v3 =	vadd.s32 v1, v3;
	_ =	sdelay $0x2  }
0x7b: {  	[tilespmem:s24], [sflag:$0x2] =	stream.indirect_vreg.gather [hbm4b:s1+s3], $0x80, v4, vm0, $0xb8;
	[tilespmem:$0xA800] =	vst v63  }
0x7c: {  	_ = 	snop  }
0x7d: {  	[tilespmem:s25], [sflag:$0x2] =	stream.indirect_vreg.gather [hbm4b:s1+s3], $0x80, v3, vm0, $0xb8;
	[tilespmem:$0xA800] =	vst v63  }
0x7e: {  	v3 =	vld [tilespmem:s11+$0x0];
	_ =	sdelay $0x4  }
0x7f: {  	v61 =	vshll.u32 v3, $0x1  }
0x80: {  	v3 =	vand.u32 $0x7, v3;
	v4 =	vand.u32 $0xFFFFFFF0, v61  }
0x81: {  	v3 =	vor.u32 v3, v4  }
0x82: {  	v4 =	vperm.xlane v3, v0;
	_ =	sdelay $0x1  }
0x83: {  	v3 =	vperm.xlane v3, v2;
	v4 =	vadd.s32 v1, v4;
	_ =	sdelay $0x1  }
0x84: {  	v3 =	vadd.s32 v1, v3;
	_ =	sdelay $0x2  }
0x85: {  	[tilespmem:s26], [sflag:$0x2] =	stream.indirect_vreg.gather [hbm4b:s1+s3], $0x80, v4, vm0, $0xb8;
	[tilespmem:$0xA800] =	vst v63  }
0x86: {  	_ = 	snop  }
0x87: {  	[tilespmem:s28], [sflag:$0x2] =	stream.indirect_vreg.gather [hbm4b:s1+s3], $0x80, v3, vm0, $0xb8;
	[tilespmem:$0xA800] =	vst v63  }
0x88: {  	v3 =	vld [tilespmem:s11+$0x10];
	_ =	sdelay $0x4  }
0x89: {  	v62 =	vshll.u32 v3, $0x1  }
0x8a: {  	v3 =	vand.u32 $0x7, v3;
	v4 =	vand.u32 $0xFFFFFFF0, v62  }
0x8b: {  	v3 =	vor.u32 v3, v4  }
0x8c: {  	v4 =	vperm.xlane v3, v0;
	_ =	sdelay $0x1  }
0x8d: {  	v3 =	vperm.xlane v3, v2;
	v4 =	vadd.s32 v1, v4;
	_ =	sdelay $0x1  }
0x8e: {  	v3 =	vadd.s32 v1, v3;
	_ =	sdelay $0x2  }
0x8f: {  	[tilespmem:s29], [sflag:$0x2] =	stream.indirect_vreg.gather [hbm4b:s1+s3], $0x80, v4, vm0, $0xb8;
	[tilespmem:$0xA800] =	vst v63  }
0x90: {  	_ = 	snop  }
0x91: {  	[tilespmem:s30], [sflag:$0x2] =	stream.indirect_vreg.gather [hbm4b:s1+s3], $0x80, v3, vm0, $0xb8;
	[tilespmem:$0xA800] =	vst v63  }
0x92: {  	v3 =	vld [tilespmem:s11+$0x20];
	_ =	sdelay $0x4  }
0x93: {  	v63 =	vshll.u32 v3, $0x1  }
0x94: {  	v3 =	vand.u32 $0x7, v3;
	v4 =	vand.u32 $0xFFFFFFF0, v63  }
0x95: {  	v3 =	vor.u32 v3, v4  }
0x96: {  	v4 =	vperm.xlane v3, v0;
	_ =	sdelay $0x1  }
0x97: {  	v3 =	vperm.xlane v3, v2;
	v4 =	vadd.s32 v1, v4;
	_ =	sdelay $0x1  }
0x98: {  	v3 =	vadd.s32 v1, v3;
	_ =	sdelay $0x2  }
0x99: {  	[tilespmem:s31], [sflag:$0x2] =	stream.indirect_vreg.gather [hbm4b:s1+s3], $0x80, v4, vm0, $0xb8;
	[tilespmem:$0xA800] =	vst v63  }
0x9a: {  	_ = 	snop  }
0x9b: {  	[tilespmem:s0], [sflag:$0x2] =	stream.indirect_vreg.gather [hbm4b:s1+s3], $0x80, v3, vm0, $0xb8;
	[tilespmem:$0xA800] =	vst v63  }
0x9c: {  	_ =	swait.ge [sflag:s2], $0x5000  }
0x9d: {  	[sflag:s2] =	ssyncset.done $0x0  }
0x9e: {  	s6 =	sadd.s32 $0x14000, s4;
	[sflag:s2] =	ssyncadd.s32 $0xFFFFB000  }
0x9f: {  	[hbm4b:s6+s3] =	stream.linear.scatter [tilespmem:s22], [sflag:$0x4], $0x5000, $0x38;
	[tilespmem:$0xA800] =	vst v63  }
.LBB2_4:
0xa0: {  	p0 =	sge.u32 s7, s5  }
.Ltmp5:
0xa1: {  	_ = 	snop;
	(pc) =	sbr.rel @p0 .LBB2_6-.Ltmp5, $1  }
0xa2: {  	_ =	sdelay $0x3  }
0xa3: {  	_ =	swait.ge [sflag:s9], $0x5000  }
0xa4: {  	[sflag:s9] =	ssyncset.done $0x0  }
0xa5: {  	[sflag:s9] =	ssyncadd.s32 $0xFFFFB000  }
0xa6: {  	v3 =	vld [tilespmem:s11+$0x60];
	_ =	sdelay $0x4  }
0xa7: {  	v4 =	vshll.u32 v3, $0x1  }
0xa8: {  	v3 =	vand.u32 $0x7, v3;
	v4 =	vand.u32 $0xFFFFFFF0, v4  }
0xa9: {  	v3 =	vor.u32 v3, v4  }
0xaa: {  	v4 =	vperm.xlane v3, v0;
	_ =	sdelay $0x1  }
0xab: {  	v3 =	vperm.xlane v3, v2;
	v4 =	vadd.s32 v1, v4;
	_ =	sdelay $0x1  }
0xac: {  	v3 =	vadd.s32 v1, v3;
	_ =	sdelay $0x2  }
0xad: {  	[tilespmem:s12], [sflag:$0x1] =	stream.indirect_vreg.gather [hbm4b:s1+s3], $0x80, v4, vm0, $0xb8;
	[tilespmem:$0xA800] =	vst v63  }
0xae: {  	_ = 	snop  }
0xaf: {  	[tilespmem:s10], [sflag:$0x1] =	stream.indirect_vreg.gather [hbm4b:s1+s3], $0x80, v3, vm0, $0xb8;
	[tilespmem:$0xA800] =	vst v63  }
0xb0: {  	v3 =	vld [tilespmem:s11+$0x70];
	_ =	sdelay $0x4  }
0xb1: {  	v60 =	vshll.u32 v3, $0x1  }
0xb2: {  	v3 =	vand.u32 $0x7, v3;
	v4 =	vand.u32 $0xFFFFFFF0, v60  }
0xb3: {  	v3 =	vor.u32 v3, v4  }
0xb4: {  	v4 =	vperm.xlane v3, v0;
	_ =	sdelay $0x1  }
0xb5: {  	v3 =	vperm.xlane v3, v2;
	v4 =	vadd.s32 v1, v4;
	_ =	sdelay $0x1  }
0xb6: {  	v3 =	vadd.s32 v1, v3;
	_ =	sdelay $0x2  }
0xb7: {  	[tilespmem:s13], [sflag:$0x1] =	stream.indirect_vreg.gather [hbm4b:s1+s3], $0x80, v4, vm0, $0xb8;
	[tilespmem:$0xA800] =	vst v63  }
0xb8: {  	_ = 	snop  }
0xb9: {  	[tilespmem:s14], [sflag:$0x1] =	stream.indirect_vreg.gather [hbm4b:s1+s3], $0x80, v3, vm0, $0xb8;
	[tilespmem:$0xA800] =	vst v63  }
0xba: {  	v3 =	vld [tilespmem:s11+$0x80];
	_ =	sdelay $0x4  }
0xbb: {  	v61 =	vshll.u32 v3, $0x1  }
0xbc: {  	v3 =	vand.u32 $0x7, v3;
	v4 =	vand.u32 $0xFFFFFFF0, v61  }
0xbd: {  	v3 =	vor.u32 v3, v4  }
0xbe: {  	v4 =	vperm.xlane v3, v0;
	_ =	sdelay $0x1  }
0xbf: {  	v3 =	vperm.xlane v3, v2;
	v4 =	vadd.s32 v1, v4;
	_ =	sdelay $0x1  }
0xc0: {  	v3 =	vadd.s32 v1, v3;
	_ =	sdelay $0x2  }
0xc1: {  	[tilespmem:s15], [sflag:$0x1] =	stream.indirect_vreg.gather [hbm4b:s1+s3], $0x80, v4, vm0, $0xb8;
	[tilespmem:$0xA800] =	vst v63  }
0xc2: {  	_ = 	snop  }
0xc3: {  	[tilespmem:s16], [sflag:$0x1] =	stream.indirect_vreg.gather [hbm4b:s1+s3], $0x80, v3, vm0, $0xb8;
	[tilespmem:$0xA800] =	vst v63  }
0xc4: {  	v3 =	vld [tilespmem:s11+$0x90];
	_ =	sdelay $0x4  }
0xc5: {  	v62 =	vshll.u32 v3, $0x1  }
0xc6: {  	v3 =	vand.u32 $0x7, v3;
	v4 =	vand.u32 $0xFFFFFFF0, v62  }
0xc7: {  	v3 =	vor.u32 v3, v4  }
0xc8: {  	v4 =	vperm.xlane v3, v0;
	_ =	sdelay $0x1  }
0xc9: {  	v3 =	vperm.xlane v3, v2;
	v4 =	vadd.s32 v1, v4;
	_ =	sdelay $0x1  }
0xca: {  	v3 =	vadd.s32 v1, v3;
	_ =	sdelay $0x2  }
0xcb: {  	[tilespmem:s17], [sflag:$0x1] =	stream.indirect_vreg.gather [hbm4b:s1+s3], $0x80, v4, vm0, $0xb8;
	[tilespmem:$0xA800] =	vst v63  }
0xcc: {  	_ = 	snop  }
0xcd: {  	[tilespmem:s18], [sflag:$0x1] =	stream.indirect_vreg.gather [hbm4b:s1+s3], $0x80, v3, vm0, $0xb8;
	[tilespmem:$0xA800] =	vst v63  }
0xce: {  	v3 =	vld [tilespmem:s11+$0xA0];
	_ =	sdelay $0x4  }
0xcf: {  	v63 =	vshll.u32 v3, $0x1  }
0xd0: {  	v3 =	vand.u32 $0x7, v3;
	v4 =	vand.u32 $0xFFFFFFF0, v63  }
0xd1: {  	v3 =	vor.u32 v3, v4  }
0xd2: {  	v4 =	vperm.xlane v3, v0;
	_ =	sdelay $0x1  }
0xd3: {  	v3 =	vperm.xlane v3, v2;
	v4 =	vadd.s32 v1, v4;
	_ =	sdelay $0x1  }
0xd4: {  	v3 =	vadd.s32 v1, v3  }
.Ltmp6:
0xd5: {  	_ = 	snop;
	(pc) =	sbr.rel .LBB2_6-.Ltmp6, $4  }
0xd6: {  	_ = 	snop  }
0xd7: {  	[tilespmem:s19], [sflag:$0x1] =	stream.indirect_vreg.gather [hbm4b:s1+s3], $0x80, v4, vm0, $0xb8;
	[tilespmem:$0xA800] =	vst v63  }
0xd8: {  	_ = 	snop  }
0xd9: {  	[tilespmem:s20], [sflag:$0x1] =	stream.indirect_vreg.gather [hbm4b:s1+s3], $0x80, v3, vm0, $0xb8;
	[tilespmem:$0xA800] =	vst v63  }
.LBB2_8:
0xda: {  	_ =	sfence.sel $0x180000  }
0xdb: {  	[bflag:$0x0] =	sbarrier.arrive $0xFFFF  }
0xdc: {  	_ =	strace $0x9000004D  }
0xdd: {  	s0 =	stileid.u32;
	[bflag:$0x2] =	sbarrier.arrive $0xFFFF  }
0xde: {  	p0 =	sne.s32 s0, $0x0;
	s0 =	rddreg [dreg:$0x2]  }
0xdf: {  	s0 =	sadd.s32 @!p0 $0x100000, s0  }
0xe0: {  	[sflag:s0] =	ssyncadd.tile.s32 @!p0 $0x1;
	_ =	shalt  }
.Lfunc_end2:
_tile_overlayer_lowered:
.L_overlay_start_2:
0xe1: {  	(tag) =	ssettag $0x2  }
0xe2: {  	s0 =	rddreg [dreg:$0x0];
	s2 =	stileid.u32  }
0xe3: {  	s1 =	rddreg [dreg:$0x1];
	p0 =	sne.s32 s2, $0x0  }
0xe4: {  	s3 =	rddreg [dreg:$0x2];
	[bflag:$0x3] =	sbarrier.arrive $0xFFFF;
	s2 =	simm.s32 @!p0 $0x1C05  }
0xe5: {  	[timem:s3], [sflag:s2] =	dma.local @!p0 [hbm:s0], s1  }
0xe6: {  	s0 =	simm.s32 @!p0 $0x5  }
0xe7: {  	_ =	swait.ge @!p0 [sflag:s0], s1  }
0xe8: {  	s1 =	ssub.s32 @!p0 $0x0, s1;
	[sflag:s0] =	ssyncset.done @!p0 $0x0  }
0xe9: {  	[sflag:s0] =	ssyncadd.s32 @!p0 s1  }
0xea: {  	[bflag:$0x3] =	sbarrier.arrive $0xFFFF  }
0xeb: {  	_ =	shalt  }

// kernel: kernel.8.cloned.1.call-start
scs
__scs_entry_jumppad:
0x0: {  	(pc) =	sbr.rel $0x88, $3  }
0x1: {  	(tag) =	ssettag $0x0;
	lr =	simm.s32 $0x1  }
0x2: {  	[smem:$0x3F9A] =	sst lr;
	_ =	strace $0xD0000000  }
0x3: {  	_ = 	snop  }
0x4: {  	_ = 	snop  }
0x5: {  	_ = 	snop  }
0x6: {  	_ = 	snop  }
0x7: {  	_ = 	snop  }
__scs_overlays_trampoline_lowered:
0x8: {  	[smem:$0x3FA9] =	sst s0  }
0x9: {  	[smem:$0x3FAA] =	sst s1  }
0xa: {  	[smem:$0x3FAB] =	sst s2  }
0xb: {  	[smem:$0x3FAC] =	sst s3  }
0xc: {  	[smem:$0x3FAD] =	sst s4  }
0xd: {  	[smem:$0x3FAE] =	sst s5  }
0xe: {  	[smem:$0x3FAF] =	sst s6  }
0xf: {  	[smem:$0x3FB0] =	sst s7  }
0x10: {  	[smem:$0x3FB1] =	sst s8  }
0x11: {  	[smem:$0x3FB2] =	sst s9;
	s0 =	simm.s32 @!p0 $0x0  }
0x12: {  	s1 =	sld [smem:$0x3F98];
	s0 =	simm.s32 @p0 $0x1  }
0x13: {  	[smem:$0x3FB3] =	sst s0;
	s0 =	simm.s32 @!p1 $0x0  }
0x14: {  	s2 =	sld [smem:$0x3F97];
	s0 =	simm.s32 @p1 $0x1  }
0x15: {  	[smem:$0x3FB4] =	sst s0;
	s0 =	simm.s32 @!p2 $0x0  }
0x16: {  	s3 =	sld [smem:$0x3FDB];
	s0 =	simm.s32 @p2 $0x1  }
0x17: {  	s4 =	simm.s32 $0x1BF5;
	[smem:$0x3FB6] =	sst s0  }
0x18: {  	s0 =	sld [smem:$0x3F99];
	_ =	swait.ge [sflag:s4], $0x0  }
0x19: {  	s7 =	sld [smem:$0x3F9A]  }
0x1a: {  	s8 =	sadd.s32 $0xFFFFE003, lr  }
0x1b: {  	s9 =	sadd.s32 $0xFFFFFEF7, lr;
	s5 =	simm.s32 $0xFFFFFFFF;
	p2 =	slt.u32 s8, $0xFFFFF086  }
0x1c: {  	p1 =	slt.u32 s9, $0xF7A;
	s5 =	simm.s32 @!p2 $0x0  }
0x1d: {  	s5 =	simm.s32 @p1 $0x1;
	p0 =	seq.s32 s7, s2  }
0x1e: {  	s7 =	smul.u32 @!p0 $0xF7A, s2;
	p2 =	seq.s32 @!p0 s5, $0x0  }
0x1f: {  	s9 =	smul.u32 $0xF7A, s1;
	s8 =	simm.s32 @!p0 $0x1BF5;
	p2 =	por !p2, p0  }
0x20: {  	[sflag:s8] =	ssyncset.s32 @!p0 $0xFFFFF086;
	s6 =	sadd.s32 @!p0 s3, s7;
	s7 =	simm.s32 @!p0 $0x108  }
0x21: {  	s3 =	sadd.s32 s3, s9;
	s6 =	sadd.s32 @!p0 $0x88, s6;
	s7 =	simm.s32 @p2 $0x1082  }
0x22: {  	[simem:s7], [sflag:s8] =	dma.local @!p0 [hbm:s6], $0xF7A  }
0x23: {  	s9 =	sor.u32 $0xD0000000, s2;
	s6 =	simm.s32 $0x108;
	_ =	swait.ge @!p0 [sflag:s8], $0x0  }
0x24: {  	s3 =	sadd.s32 $0x88, s3;
	s6 =	simm.s32 @!p1 $0x1082;
	[sflag:s4] =	ssyncset.s32 $0xFFFFF086  }
0x25: {  	[simem:s6], [sflag:s4] =	dma.local [hbm:s3], $0xF7A  }
0x26: {  	[smem:$0x3F9A] =	sst s1;
	(tag) =	ssettag s2;
	_ =	strace s9  }
0x27: {  	s1 =	sld [smem:$0x3FAA]  }
0x28: {  	s2 =	sld [smem:$0x3FAB]  }
0x29: {  	s4 =	sld [smem:$0x3FAD]  }
0x2a: {  	p0 =	seq.s32 s5, $0x0;
	s5 =	sld [smem:$0x3FAE]  }
0x2b: {  	s6 =	sld [smem:$0x3FAF]  }
0x2c: {  	s7 =	sld [smem:$0x3FB0]  }
0x2d: {  	s3 =	simm.s32 $0x108;
	s8 =	sld [smem:$0x3FB1]  }
0x2e: {  	s3 =	simm.s32 @!p0 $0x1082;
	s9 =	sld [smem:$0x3FB2]  }
0x2f: {  	lr =	sadd.s32 s0, s3;
	s0 =	sld [smem:$0x3FA9]  }
0x30: {  	s3 =	sld [smem:$0x3FAC]  }
0x31: {  	[smem:$0x3FB5] =	sst s10  }
0x32: {  	s10 =	sld [smem:$0x3FB3];
	_ =	sdelay $0x3  }
0x33: {  	p0 =	seq.s32 s10, $0x1;
	s10 =	sld [smem:$0x3FB5];
	_ =	sdelay $0x3  }
0x34: {  	[smem:$0x3FB5] =	sst s10  }
0x35: {  	s10 =	sld [smem:$0x3FB4];
	_ =	sdelay $0x3  }
0x36: {  	p1 =	seq.s32 s10, $0x1;
	s10 =	sld [smem:$0x3FB5];
	_ =	sdelay $0x3  }
0x37: {  	[smem:$0x3FB5] =	sst s10  }
0x38: {  	s10 =	sld [smem:$0x3FB6]  }
0x39: {  	_ = 	snop;
	(pc) =	sbr.ind lr, $3  }
0x3a: {  	_ = 	snop  }
0x3b: {  	_ = 	snop  }
0x3c: {  	p2 =	seq.s32 s10, $0x1;
	s10 =	sld [smem:$0x3FB5]  }
0x3d: {  	_ =	shalt  }
0x3e: {  	_ =	shalt  }
0x3f: {  	_ =	shalt  }
0x40: {  	_ =	shalt  }
0x41: {  	_ =	shalt  }
0x42: {  	_ =	shalt  }
0x43: {  	_ =	shalt  }
0x44: {  	_ =	shalt  }
0x45: {  	_ =	shalt  }
0x46: {  	_ =	shalt  }
0x47: {  	_ =	shalt  }
0x48: {  	_ =	shalt  }
0x49: {  	_ =	shalt  }
0x4a: {  	_ =	shalt  }
0x4b: {  	_ =	shalt  }
0x4c: {  	_ =	shalt  }
0x4d: {  	_ =	shalt  }
0x4e: {  	_ =	shalt  }
0x4f: {  	_ =	shalt  }
0x50: {  	_ =	shalt  }
0x51: {  	_ =	shalt  }
0x52: {  	_ =	shalt  }
0x53: {  	_ =	shalt  }
0x54: {  	_ =	shalt  }
0x55: {  	_ =	shalt  }
0x56: {  	_ =	shalt  }
0x57: {  	_ =	shalt  }
0x58: {  	_ =	shalt  }
0x59: {  	_ =	shalt  }
0x5a: {  	_ =	shalt  }
0x5b: {  	_ =	shalt  }
0x5c: {  	_ =	shalt  }
0x5d: {  	_ =	shalt  }
0x5e: {  	_ =	shalt  }
0x5f: {  	_ =	shalt  }
0x60: {  	_ =	shalt  }
0x61: {  	_ =	shalt  }
0x62: {  	_ =	shalt  }
0x63: {  	_ =	shalt  }
0x64: {  	_ =	shalt  }
0x65: {  	_ =	shalt  }
0x66: {  	_ =	shalt  }
0x67: {  	_ =	shalt  }
0x68: {  	_ =	shalt  }
0x69: {  	_ =	shalt  }
0x6a: {  	_ =	shalt  }
0x6b: {  	_ =	shalt  }
0x6c: {  	_ =	shalt  }
0x6d: {  	_ =	shalt  }
0x6e: {  	_ =	shalt  }
0x6f: {  	_ =	shalt  }
0x70: {  	_ =	shalt  }
0x71: {  	_ =	shalt  }
0x72: {  	_ =	shalt  }
0x73: {  	_ =	shalt  }
0x74: {  	_ =	shalt  }
0x75: {  	_ =	shalt  }
0x76: {  	_ =	shalt  }
0x77: {  	_ =	shalt  }
0x78: {  	_ =	shalt  }
0x79: {  	_ =	shalt  }
0x7a: {  	_ =	shalt  }
0x7b: {  	_ =	shalt  }
0x7c: {  	_ =	shalt  }
0x7d: {  	_ =	shalt  }
0x7e: {  	_ =	shalt  }
0x7f: {  	_ =	shalt  }
0x80: {  	_ =	shalt  }
0x81: {  	_ =	shalt  }
0x82: {  	_ =	shalt  }
0x83: {  	_ =	shalt  }
0x84: {  	_ =	shalt  }
0x85: {  	_ =	shalt  }
0x86: {  	_ =	shalt  }
0x87: {  	_ =	shalt  }
.Lfunc_end0:
.L_simem_size_0:
called_computation_lowered:
.L_overlay_start_0:
0x88: {  	s2 =	sld [smem:$0x3FD9]  }
0x89: {  	s3 =	sld [smem:$0x3FFE];
	_ =	sdelay $0x1  }
0x8a: {  	s1 =	srdreg.scid  }
0x8b: {  	s0 =	sand.u32 $0x1, s1  }
0x8c: {  	s17 =	sshll.u32 s0, $0xA;
	s2 =	sadd.s32 s3, s2  }
0x8d: {  	s2 =	sadd.s32 s2, s17  }
0x8e: {  	[smem:$0x3FC1] =	sst s2  }
0x8f: {  	_ = 	snop  }
0x90: {  	s2 =	sld [smem:$0x3FC8]  }
0x91: {  	s18 =	sld [smem:$0x3FD0];
	(tm) =	ssettm $0x1  }
0x92: {  	s4 =	sld [smem:$0x3FFB];
	_ =	sdelay $0x3  }
0x93: {  	_ =	strace s4  }
0x94: {  	s4 =	sld [smem:$0x3FFC];
	_ =	sdelay $0x3  }
0x95: {  	_ =	strace s4  }
0x96: {  	s4 =	sld [smem:$0x3FFD];
	_ =	sdelay $0x3  }
0x97: {  	_ =	strace s4  }
0x98: {  	_ =	strace $0x8FFFFFFF  }
0x99: {  	s19 =	sld [smem:$0x3FDB];
	_ =	sdelay $0x1  }
0x9a: {  	s5 =	simm.s32 $_scs_section_size  }
0x9b: {  	s6 =	simm.s32 $_size__tile_overlayer_lowered;
	s7 =	simm.s32 $_tile_overlayer_lowered  }
0x9c: {  	s22 =	simm.s32 $0x1BFF;
	s21 =	sshll.u32 s7, $0x1;
	s4 =	sadd.s32 s5, s19  }
0x9d: {  	s8 =	simm.s32 $0x0;
	s20 =	sshll.u32 s6, $0x1;
	s6 =	sadd.s32 s21, s4  }
0x9e: {  	[timem:s8], [sflag:s22] =	dma.local [hbm:s6], s20  }
0x9f: {  	_ =	swait.ge [sflag:s22], s20  }
0xa0: {  	s5 =	ssub.s32 $0x0, s20;
	[sflag:s22] =	ssyncset.done $0x0  }
0xa1: {  	[sflag:s22] =	ssyncadd.s32 s5;
	_ =	sdelay $0x1  }
0xa2: {  	s23 =	simm.s32 $0x1B8B  }
0xa3: {  	_ =	swait.ge [sflag:s23], $0x1  }
0xa4: {  	[sflag:s23] =	ssyncset.done $0x0  }
0xa5: {  	s25 =	simm.s32 $0x1B8E;
	s24 =	sld [smem:$0x3FFE];
	[sflag:s23] =	ssyncadd.s32 $0xFFFFFFFF  }
0xa6: {  	s26 =	simm.s32 $execute0_lowered;
	[smem:$0x3FD2] =	sst s25  }
0xa7: {  	s6 =	sshll.u32 s26, $0x1;
	_ =	strace $0x80000046;
	[dreg:$0x1] =	wrdreg $0xFFFFFFFF  }
0xa8: {  	s28 =	simm.s32 $_size_execute0_lowered;
	s4 =	sadd.s32 s4, s6;
	[dreg:$0x0] =	wrdreg $0x0  }
0xa9: {  	s6 =	sshll.u32 s28, $0x1;
	[dreg:$0x2] =	wrdreg s4  }
0xaa: {  	[dreg:$0x3] =	wrdreg s6  }
0xab: {  	[dreg:$0x4] =	wrdreg $0xC0  }
0xac: {  	_ =	task [dreg:s8], $0x5FFFF  }
0xad: {  	[dreg:$0x1] =	wrdreg $0xFFFFFFFF  }
0xae: {  	[dreg:$0x0] =	wrdreg $0x60  }
0xaf: {  	[dreg:$0x2] =	wrdreg s24  }
0xb0: {  	[dreg:$0x3] =	wrdreg s2  }
0xb1: {  	[dreg:$0x4] =	wrdreg s18  }
0xb2: {  	[dreg:$0x5] =	wrdreg $0x9  }
0xb3: {  	_ =	task.clear_ibuf [dreg:s8], $0x6FFFF;
	_ =	strace $0x90000046  }
0xb4: {  	s29 =	simm.s32 $0x9;
	_ =	strace $0x80000048  }
0xb5: {  	_ =	swait.ge [sflag:s29], $0x1  }
0xb6: {  	[sflag:s29] =	ssyncadd.s32 $0xFFFFFFFF  }
0xb7: {  	_ =	strace $0x90000048  }
0xb8: {  	_ =	sfence  }
0xb9: {  	s30 =	sld [smem:$0x0];
	_ =	sdelay $0x2  }
0xba: {  	s31 =	sshll.u32 s1, $0xD;
	s1 =	sshrl.u32 s1, $0x2  }
0xbb: {  	s3 =	sand.u32 $0x4000, s31;
	s1 =	sadd.s32 s1, s30  }
0xbc: {  	s0 =	sor.u32 s3, s0;
	s1 =	sshll.u32 s1, $0x11  }
0xbd: {  	s0 =	sor.u32 s1, s0  }
0xbe: {  	s0 =	sadd.s32 $0x8F2B, s0  }
0xbf: {  	[sflag:s0] =	ssyncadd.remote.s32 $0x1  }
0xc0: {  	_ =	sfence.sel $0xFFFF  }
0xc1: {  	[dreg:$0x0] =	wrdreg $0xFFFFFFFF;
	(pc) =	sbr.abs _section_cstart, $3  }
0xc2: {  	[dreg:$0x1] =	wrdreg $0xFFFFFFFF  }
0xc3: {  	_ =	task.clear_ibuf [dreg:s8], $0x2FFFF;
	_ =	strace $0x9FFFFFFF  }
0xc4: {  	(tm) =	ssettm $0x7FFFFFFF  }
0xc5: {  	_ =	shalt  }
tec
execute0_lowered:
.L_overlay_start_1:
0x0: {  	(tag) =	ssettag $0x1  }
0x1: {  	s0 =	rddreg [dreg:$0x0]  }
0x2: {  	s2 =	rddreg [dreg:$0x1]  }
0x3: {  	s1 =	rddreg [dreg:$0x2];
	s4 =	srdreg.scid  }
0x4: {  	s9 =	stileid.u32;
	s3 =	simm.s32 $0x0;
	s12 =	simm.s32 $0x400  }
0x5: {  	s13 =	simm.s32 $0xC00;
	s14 =	simm.s32 $0x1400;
	s15 =	simm.s32 $0x1C00  }
0x6: {  	s16 =	simm.s32 $0x2400;
	s17 =	simm.s32 $0x2C00;
	s18 =	simm.s32 $0x3400  }
0x7: {  	s19 =	simm.s32 $0x3C00;
	s20 =	simm.s32 $0x4400;
	s21 =	simm.s32 $0x4C00  }
0x8: {  	s22 =	simm.s32 $0x1;
	s23 =	simm.s32 $0x5400;
	s28 =	simm.s32 $0x7400  }
0x9: {  	s29 =	simm.s32 $0x7C00;
	s30 =	simm.s32 $0x8400;
	s31 =	simm.s32 $0x8C00  }
0xa: {  	s10 =	simm.s32 $0x3;
	s4 =	sand.u32 $0x1, s4;
	s5 =	sshll.u32 s9, $0x1  }
0xb: {  	[smem:$0x7FF] =	sst s3;
	s9 =	smul.u32 $0x1400, s9;
	s6 =	sor.u32 s4, s5  }
0xc: {  	_ =	strace $0x80000047;
	s8 =	ssub.s32 $0x2, s4;
	s25 =	smul.u32 $0xA00, s4  }
0xd: {  	s5 =	ssub.s32 $0xFA, s5;
	s7 =	sshll.u32 s6, $0x4;
	s24 =	sshrl.u32 s8, $0x1  }
0xe: {  	s1 =	sadd.s32 s9, s1;
	s9 =	simm.s32 $0x2;
	s0 =	sadd.s32 s7, s0  }
.Ltmp0:
0xf: {  	s7 =	ssub.s32 s8, s24;
	s0 =	sadd.s32 $0x1A00, s0;
	(pc) =	sbr.rel .LBB2_1-.Ltmp0, $4  }
0x10: {  	s8 =	sor.u32 $0x20, s6;
	s26 =	smax.u32 s7, $0x1;
	[dreg:$0x4] =	wrdreg s0  }
0x11: {  	v2 =	vlaneseq.u32;
	s24 =	simm.s32 $0x5C00;
	s7 =	simm.s32 $0x0;
	[dreg:$0x5] =	wrdreg s26  }
0x12: {  	vm0 =	vmmov $0xffff;
	v1 =	vshrl.u32 v2, $0x3;
	s0 =	sadd.s32 s25, s1;
	s25 =	simm.s32 $0x6400;
	s26 =	simm.s32 $0x6C00  }
0x13: {  	v0 =	vand.u32 $0x7, v2;
	v2 =	vor.u32 $0x8, v2;
	v1 =	vmul.u32 $0x8, v1;
	s1 =	simm.s32 $0x9C00;
	[dreg:$0x6] =	wrdreg s0;
	s0 =	simm.s32 $0x9400  }
.LBB2_7:
0x14: {  	_ =	swait.ge [sflag:s10], $0x5000  }
0x15: {  	[sflag:s10] =	ssyncset.done $0x0  }
0x16: {  	s6 =	simm.s32 $0x4;
	[sflag:s10] =	ssyncadd.s32 $0xFFFFB000  }
0x17: {  	_ =	swait.ge [sflag:s6], $0x5000  }
0x18: {  	s7 =	rddreg [dreg:$0x7]  }
0x19: {  	s4 =	rddreg [dreg:$0x5];
	s7 =	sadd.s32 $0x1, s7  }
0x1a: {  	p0 =	sne.s32 s7, s4  }
.Ltmp1:
0x1b: {  	_ = 	snop;
	(pc) =	sbr.rel @!p0 .LBB2_8-.Ltmp1, $3  }
0x1c: {  	_ =	sdelay $0x1  }
0x1d: {  	[sflag:s6] =	ssyncset.done $0x0  }
0x1e: {  	[sflag:s6] =	ssyncadd.s32 $0xFFFFB000  }
.LBB2_1:
0x1f: {  	s4 =	rddreg [dreg:$0x4];
	s6 =	simm.s32 $0x80;
	s11 =	simm.s32 $0x1000  }
0x20: {  	[tilespmem:s3], [sflag:$0x5] =	stream.strided.gather [hbm4b:s4+s6], $0x400, s11, s6, $0x38;
	[tilespmem:$0xA400] =	vst v63  }
0x21: {  	[dreg:$0x7] =	wrdreg s7;
	s11 =	simm.s32 $0x5  }
0x22: {  	_ =	swait.ge [sflag:s11], $0x400  }
0x23: {  	[sflag:s11] =	ssyncset.done $0x0  }
0x24: {  	[sflag:s11] =	ssyncadd.s32 $0xFFFFFC00  }
0x25: {  	v3 =	vld [tilespmem:$0x0];
	_ =	sdelay $0x4  }
0x26: {  	v4 =	vshll.u32 v3, $0x1  }
0x27: {  	v3 =	vand.u32 $0x7, v3;
	v4 =	vand.u32 $0xFFFFFFF0, v4  }
0x28: {  	v3 =	vor.u32 v3, v4  }
0x29: {  	v4 =	vperm.xlane v3, v0;
	_ =	sdelay $0x1  }
0x2a: {  	v3 =	vperm.xlane v3, v2;
	v4 =	vadd.s32 v1, v4;
	_ =	sdelay $0x1  }
0x2b: {  	v3 =	vadd.s32 v1, v3;
	_ =	sdelay $0x2  }
0x2c: {  	[tilespmem:s12], [sflag:$0x1] =	stream.indirect_vreg.gather [hbm4b:s2+s3], $0x80, v4, vm0, $0xb8;
	[tilespmem:$0xA400] =	vst v63  }
0x2d: {  	_ = 	snop  }
0x2e: {  	[tilespmem:s13], [sflag:$0x1] =	stream.indirect_vreg.gather [hbm4b:s2+s3], $0x80, v3, vm0, $0xb8;
	[tilespmem:$0xA400] =	vst v63  }
0x2f: {  	v3 =	vld [tilespmem:$0x10];
	_ =	sdelay $0x4  }
0x30: {  	v60 =	vshll.u32 v3, $0x1  }
0x31: {  	v3 =	vand.u32 $0x7, v3;
	v4 =	vand.u32 $0xFFFFFFF0, v60  }
0x32: {  	v3 =	vor.u32 v3, v4  }
0x33: {  	v4 =	vperm.xlane v3, v0;
	_ =	sdelay $0x1  }
0x34: {  	v3 =	vperm.xlane v3, v2;
	v4 =	vadd.s32 v1, v4;
	_ =	sdelay $0x1  }
0x35: {  	v3 =	vadd.s32 v1, v3;
	_ =	sdelay $0x2  }
0x36: {  	[tilespmem:s14], [sflag:$0x1] =	stream.indirect_vreg.gather [hbm4b:s2+s3], $0x80, v4, vm0, $0xb8;
	[tilespmem:$0xA400] =	vst v63  }
0x37: {  	_ = 	snop  }
0x38: {  	[tilespmem:s15], [sflag:$0x1] =	stream.indirect_vreg.gather [hbm4b:s2+s3], $0x80, v3, vm0, $0xb8;
	[tilespmem:$0xA400] =	vst v63  }
0x39: {  	v3 =	vld [tilespmem:$0x20];
	_ =	sdelay $0x4  }
0x3a: {  	v61 =	vshll.u32 v3, $0x1  }
0x3b: {  	v3 =	vand.u32 $0x7, v3;
	v4 =	vand.u32 $0xFFFFFFF0, v61  }
0x3c: {  	v3 =	vor.u32 v3, v4  }
0x3d: {  	v4 =	vperm.xlane v3, v0;
	_ =	sdelay $0x1  }
0x3e: {  	v3 =	vperm.xlane v3, v2;
	v4 =	vadd.s32 v1, v4;
	_ =	sdelay $0x1  }
0x3f: {  	v3 =	vadd.s32 v1, v3;
	_ =	sdelay $0x2  }
0x40: {  	[tilespmem:s16], [sflag:$0x1] =	stream.indirect_vreg.gather [hbm4b:s2+s3], $0x80, v4, vm0, $0xb8;
	[tilespmem:$0xA400] =	vst v63  }
0x41: {  	_ = 	snop  }
0x42: {  	[tilespmem:s17], [sflag:$0x1] =	stream.indirect_vreg.gather [hbm4b:s2+s3], $0x80, v3, vm0, $0xb8;
	[tilespmem:$0xA400] =	vst v63  }
0x43: {  	v3 =	vld [tilespmem:$0x30];
	_ =	sdelay $0x4  }
0x44: {  	v62 =	vshll.u32 v3, $0x1  }
0x45: {  	v3 =	vand.u32 $0x7, v3;
	v4 =	vand.u32 $0xFFFFFFF0, v62  }
0x46: {  	v3 =	vor.u32 v3, v4  }
0x47: {  	v4 =	vperm.xlane v3, v0;
	_ =	sdelay $0x1  }
0x48: {  	v3 =	vperm.xlane v3, v2;
	v4 =	vadd.s32 v1, v4;
	_ =	sdelay $0x1  }
0x49: {  	v3 =	vadd.s32 v1, v3;
	_ =	sdelay $0x2  }
0x4a: {  	[tilespmem:s18], [sflag:$0x1] =	stream.indirect_vreg.gather [hbm4b:s2+s3], $0x80, v4, vm0, $0xb8;
	[tilespmem:$0xA400] =	vst v63  }
0x4b: {  	_ = 	snop  }
0x4c: {  	[tilespmem:s19], [sflag:$0x1] =	stream.indirect_vreg.gather [hbm4b:s2+s3], $0x80, v3, vm0, $0xb8;
	[tilespmem:$0xA400] =	vst v63  }
0x4d: {  	v3 =	vld [tilespmem:$0x40];
	_ =	sdelay $0x4  }
0x4e: {  	v63 =	vshll.u32 v3, $0x1  }
0x4f: {  	v3 =	vand.u32 $0x7, v3;
	v4 =	vand.u32 $0xFFFFFFF0, v63  }
0x50: {  	v3 =	vor.u32 v3, v4  }
0x51: {  	v4 =	vperm.xlane v3, v0;
	_ =	sdelay $0x1  }
0x52: {  	v3 =	vperm.xlane v3, v2;
	v4 =	vadd.s32 v1, v4;
	_ =	sdelay $0x1  }
0x53: {  	v3 =	vadd.s32 v1, v3  }
.Ltmp2:
0x54: {  	_ = 	snop;
	(pc) =	sbr.rel .LBB2_2-.Ltmp2, $4  }
0x55: {  	_ = 	snop  }
0x56: {  	[tilespmem:s20], [sflag:$0x1] =	stream.indirect_vreg.gather [hbm4b:s2+s3], $0x80, v4, vm0, $0xb8;
	[tilespmem:$0xA400] =	vst v63  }
0x57: {  	s7 =	simm.s32 $0x40;
	s4 =	rddreg [dreg:$0x6];
	s11 =	simm.s32 $0xA0  }
0x58: {  	[tilespmem:s21], [sflag:$0x1] =	stream.indirect_vreg.gather [hbm4b:s2+s3], $0x80, v3, vm0, $0xb8;
	[tilespmem:$0xA400] =	vst v63  }
.LBB2_6:
0x59: {  	s7 =	sadd.s32 $0x40, s7  }
0x5a: {  	p0 =	sne.s32 s7, $0x140  }
.Ltmp3:
0x5b: {  	_ = 	snop;
	(pc) =	sbr.rel @!p0 .LBB2_7-.Ltmp3, $2  }
0x5c: {  	_ =	sdelay $0x2  }
0x5d: {  	s4 =	sadd.s32 $0x28000, s4;
	s11 =	sadd.s32 $0x100, s11  }
.LBB2_2:
0x5e: {  	s6 =	sadd.s32 s7, s8  }
0x5f: {  	s6 =	sadd.s32 $0xFFFFFFC0, s6  }
0x60: {  	p0 =	sgt.u32 s6, $0xF9  }
.Ltmp4:
0x61: {  	_ = 	snop;
	(pc) =	sbr.rel @p0 .LBB2_4-.Ltmp4, $4  }
0x62: {  	_ =	swait.ge [sflag:s22], $0x5000  }
0x63: {  	[sflag:s22] =	ssyncset.done $0x0  }
0x64: {  	[sflag:s22] =	ssyncadd.s32 $0xFFFFB000  }
0x65: {  	[hbm4b:s4+s3] =	stream.linear.scatter [tilespmem:s12], [sflag:$0x3], $0x5000, $0x38;
	[tilespmem:$0xA400] =	vst v63  }
0x66: {  	p0 =	seq.s32 s7, $0x40  }
0x67: {  	s6 =	simm.s32 @!p0 $0x4  }
0x68: {  	_ =	swait.ge @!p0 [sflag:s6], $0x5000  }
0x69: {  	[sflag:s6] =	ssyncset.done @!p0 $0x0  }
0x6a: {  	[sflag:s6] =	ssyncadd.s32 @!p0 $0xFFFFB000  }
0x6b: {  	v3 =	vld [tilespmem:s11+$0xFFFFFFE0];
	_ =	sdelay $0x4  }
0x6c: {  	v4 =	vshll.u32 v3, $0x1  }
0x6d: {  	v3 =	vand.u32 $0x7, v3;
	v4 =	vand.u32 $0xFFFFFFF0, v4  }
0x6e: {  	v3 =	vor.u32 v3, v4  }
0x6f: {  	v4 =	vperm.xlane v3, v0;
	_ =	sdelay $0x1  }
0x70: {  	v3 =	vperm.xlane v3, v2;
	v4 =	vadd.s32 v1, v4;
	_ =	sdelay $0x1  }
0x71: {  	v3 =	vadd.s32 v1, v3;
	_ =	sdelay $0x2  }
0x72: {  	[tilespmem:s23], [sflag:$0x2] =	stream.indirect_vreg.gather [hbm4b:s2+s3], $0x80, v4, vm0, $0xb8;
	[tilespmem:$0xA400] =	vst v63  }
0x73: {  	_ = 	snop  }
0x74: {  	[tilespmem:s24], [sflag:$0x2] =	stream.indirect_vreg.gather [hbm4b:s2+s3], $0x80, v3, vm0, $0xb8;
	[tilespmem:$0xA400] =	vst v63  }
0x75: {  	v3 =	vld [tilespmem:s11+$0xFFFFFFF0];
	_ =	sdelay $0x4  }
0x76: {  	v60 =	vshll.u32 v3, $0x1  }
0x77: {  	v3 =	vand.u32 $0x7, v3;
	v4 =	vand.u32 $0xFFFFFFF0, v60  }
0x78: {  	v3 =	vor.u32 v3, v4  }
0x79: {  	v4 =	vperm.xlane v3, v0;
	_ =	sdelay $0x1  }
0x7a: {  	v3 =	vperm.xlane v3, v2;
	v4 =	vadd.s32 v1, v4;
	_ =	sdelay $0x1  }
0x7b: {  	v3 =	vadd.s32 v1, v3;
	_ =	sdelay $0x2  }
0x7c: {  	[tilespmem:s25], [sflag:$0x2] =	stream.indirect_vreg.gather [hbm4b:s2+s3], $0x80, v4, vm0, $0xb8;
	[tilespmem:$0xA400] =	vst v63  }
0x7d: {  	_ = 	snop  }
0x7e: {  	[tilespmem:s26], [sflag:$0x2] =	stream.indirect_vreg.gather [hbm4b:s2+s3], $0x80, v3, vm0, $0xb8;
	[tilespmem:$0xA400] =	vst v63  }
0x7f: {  	v3 =	vld [tilespmem:s11+$0x0];
	_ =	sdelay $0x4  }
0x80: {  	v61 =	vshll.u32 v3, $0x1  }
0x81: {  	v3 =	vand.u32 $0x7, v3;
	v4 =	vand.u32 $0xFFFFFFF0, v61  }
0x82: {  	v3 =	vor.u32 v3, v4  }
0x83: {  	v4 =	vperm.xlane v3, v0;
	_ =	sdelay $0x1  }
0x84: {  	v3 =	vperm.xlane v3, v2;
	v4 =	vadd.s32 v1, v4;
	_ =	sdelay $0x1  }
0x85: {  	v3 =	vadd.s32 v1, v3;
	_ =	sdelay $0x2  }
0x86: {  	[tilespmem:s28], [sflag:$0x2] =	stream.indirect_vreg.gather [hbm4b:s2+s3], $0x80, v4, vm0, $0xb8;
	[tilespmem:$0xA400] =	vst v63  }
0x87: {  	_ = 	snop  }
0x88: {  	[tilespmem:s29], [sflag:$0x2] =	stream.indirect_vreg.gather [hbm4b:s2+s3], $0x80, v3, vm0, $0xb8;
	[tilespmem:$0xA400] =	vst v63  }
0x89: {  	v3 =	vld [tilespmem:s11+$0x10];
	_ =	sdelay $0x4  }
0x8a: {  	v62 =	vshll.u32 v3, $0x1  }
0x8b: {  	v3 =	vand.u32 $0x7, v3;
	v4 =	vand.u32 $0xFFFFFFF0, v62  }
0x8c: {  	v3 =	vor.u32 v3, v4  }
0x8d: {  	v4 =	vperm.xlane v3, v0;
	_ =	sdelay $0x1  }
0x8e: {  	v3 =	vperm.xlane v3, v2;
	v4 =	vadd.s32 v1, v4;
	_ =	sdelay $0x1  }
0x8f: {  	v3 =	vadd.s32 v1, v3;
	_ =	sdelay $0x2  }
0x90: {  	[tilespmem:s30], [sflag:$0x2] =	stream.indirect_vreg.gather [hbm4b:s2+s3], $0x80, v4, vm0, $0xb8;
	[tilespmem:$0xA400] =	vst v63  }
0x91: {  	_ = 	snop  }
0x92: {  	[tilespmem:s31], [sflag:$0x2] =	stream.indirect_vreg.gather [hbm4b:s2+s3], $0x80, v3, vm0, $0xb8;
	[tilespmem:$0xA400] =	vst v63  }
0x93: {  	v3 =	vld [tilespmem:s11+$0x20];
	_ =	sdelay $0x4  }
0x94: {  	v63 =	vshll.u32 v3, $0x1  }
0x95: {  	v3 =	vand.u32 $0x7, v3;
	v4 =	vand.u32 $0xFFFFFFF0, v63  }
0x96: {  	v3 =	vor.u32 v3, v4  }
0x97: {  	v4 =	vperm.xlane v3, v0;
	_ =	sdelay $0x1  }
0x98: {  	v3 =	vperm.xlane v3, v2;
	v4 =	vadd.s32 v1, v4;
	_ =	sdelay $0x1  }
0x99: {  	v3 =	vadd.s32 v1, v3;
	_ =	sdelay $0x2  }
0x9a: {  	[tilespmem:s0], [sflag:$0x2] =	stream.indirect_vreg.gather [hbm4b:s2+s3], $0x80, v4, vm0, $0xb8;
	[tilespmem:$0xA400] =	vst v63  }
0x9b: {  	_ = 	snop  }
0x9c: {  	[tilespmem:s1], [sflag:$0x2] =	stream.indirect_vreg.gather [hbm4b:s2+s3], $0x80, v3, vm0, $0xb8;
	[tilespmem:$0xA400] =	vst v63  }
0x9d: {  	_ =	swait.ge [sflag:s9], $0x5000  }
0x9e: {  	[sflag:s9] =	ssyncset.done $0x0  }
0x9f: {  	s6 =	sadd.s32 $0x14000, s4;
	[sflag:s9] =	ssyncadd.s32 $0xFFFFB000  }
0xa0: {  	[hbm4b:s6+s3] =	stream.linear.scatter [tilespmem:s23], [sflag:$0x4], $0x5000, $0x38;
	[tilespmem:$0xA400] =	vst v63  }
.LBB2_4:
0xa1: {  	p0 =	sge.u32 s7, s5  }
.Ltmp5:
0xa2: {  	_ = 	snop;
	(pc) =	sbr.rel @p0 .LBB2_6-.Ltmp5, $1  }
0xa3: {  	_ =	sdelay $0x3  }
0xa4: {  	_ =	swait.ge [sflag:s10], $0x5000  }
0xa5: {  	[sflag:s10] =	ssyncset.done $0x0  }
0xa6: {  	[sflag:s10] =	ssyncadd.s32 $0xFFFFB000  }
0xa7: {  	v3 =	vld [tilespmem:s11+$0x60];
	_ =	sdelay $0x4  }
0xa8: {  	v4 =	vshll.u32 v3, $0x1  }
0xa9: {  	v3 =	vand.u32 $0x7, v3;
	v4 =	vand.u32 $0xFFFFFFF0, v4  }
0xaa: {  	v3 =	vor.u32 v3, v4  }
0xab: {  	v4 =	vperm.xlane v3, v0;
	_ =	sdelay $0x1  }
0xac: {  	v3 =	vperm.xlane v3, v2;
	v4 =	vadd.s32 v1, v4;
	_ =	sdelay $0x1  }
0xad: {  	v3 =	vadd.s32 v1, v3;
	_ =	sdelay $0x2  }
0xae: {  	[tilespmem:s12], [sflag:$0x1] =	stream.indirect_vreg.gather [hbm4b:s2+s3], $0x80, v4, vm0, $0xb8;
	[tilespmem:$0xA400] =	vst v63  }
0xaf: {  	_ = 	snop  }
0xb0: {  	[tilespmem:s13], [sflag:$0x1] =	stream.indirect_vreg.gather [hbm4b:s2+s3], $0x80, v3, vm0, $0xb8;
	[tilespmem:$0xA400] =	vst v63  }
0xb1: {  	v3 =	vld [tilespmem:s11+$0x70];
	_ =	sdelay $0x4  }
0xb2: {  	v60 =	vshll.u32 v3, $0x1  }
0xb3: {  	v3 =	vand.u32 $0x7, v3;
	v4 =	vand.u32 $0xFFFFFFF0, v60  }
0xb4: {  	v3 =	vor.u32 v3, v4  }
0xb5: {  	v4 =	vperm.xlane v3, v0;
	_ =	sdelay $0x1  }
0xb6: {  	v3 =	vperm.xlane v3, v2;
	v4 =	vadd.s32 v1, v4;
	_ =	sdelay $0x1  }
0xb7: {  	v3 =	vadd.s32 v1, v3;
	_ =	sdelay $0x2  }
0xb8: {  	[tilespmem:s14], [sflag:$0x1] =	stream.indirect_vreg.gather [hbm4b:s2+s3], $0x80, v4, vm0, $0xb8;
	[tilespmem:$0xA400] =	vst v63  }
0xb9: {  	_ = 	snop  }
0xba: {  	[tilespmem:s15], [sflag:$0x1] =	stream.indirect_vreg.gather [hbm4b:s2+s3], $0x80, v3, vm0, $0xb8;
	[tilespmem:$0xA400] =	vst v63  }
0xbb: {  	v3 =	vld [tilespmem:s11+$0x80];
	_ =	sdelay $0x4  }
0xbc: {  	v61 =	vshll.u32 v3, $0x1  }
0xbd: {  	v3 =	vand.u32 $0x7, v3;
	v4 =	vand.u32 $0xFFFFFFF0, v61  }
0xbe: {  	v3 =	vor.u32 v3, v4  }
0xbf: {  	v4 =	vperm.xlane v3, v0;
	_ =	sdelay $0x1  }
0xc0: {  	v3 =	vperm.xlane v3, v2;
	v4 =	vadd.s32 v1, v4;
	_ =	sdelay $0x1  }
0xc1: {  	v3 =	vadd.s32 v1, v3;
	_ =	sdelay $0x2  }
0xc2: {  	[tilespmem:s16], [sflag:$0x1] =	stream.indirect_vreg.gather [hbm4b:s2+s3], $0x80, v4, vm0, $0xb8;
	[tilespmem:$0xA400] =	vst v63  }
0xc3: {  	_ = 	snop  }
0xc4: {  	[tilespmem:s17], [sflag:$0x1] =	stream.indirect_vreg.gather [hbm4b:s2+s3], $0x80, v3, vm0, $0xb8;
	[tilespmem:$0xA400] =	vst v63  }
0xc5: {  	v3 =	vld [tilespmem:s11+$0x90];
	_ =	sdelay $0x4  }
0xc6: {  	v62 =	vshll.u32 v3, $0x1  }
0xc7: {  	v3 =	vand.u32 $0x7, v3;
	v4 =	vand.u32 $0xFFFFFFF0, v62  }
0xc8: {  	v3 =	vor.u32 v3, v4  }
0xc9: {  	v4 =	vperm.xlane v3, v0;
	_ =	sdelay $0x1  }
0xca: {  	v3 =	vperm.xlane v3, v2;
	v4 =	vadd.s32 v1, v4;
	_ =	sdelay $0x1  }
0xcb: {  	v3 =	vadd.s32 v1, v3;
	_ =	sdelay $0x2  }
0xcc: {  	[tilespmem:s18], [sflag:$0x1] =	stream.indirect_vreg.gather [hbm4b:s2+s3], $0x80, v4, vm0, $0xb8;
	[tilespmem:$0xA400] =	vst v63  }
0xcd: {  	_ = 	snop  }
0xce: {  	[tilespmem:s19], [sflag:$0x1] =	stream.indirect_vreg.gather [hbm4b:s2+s3], $0x80, v3, vm0, $0xb8;
	[tilespmem:$0xA400] =	vst v63  }
0xcf: {  	v3 =	vld [tilespmem:s11+$0xA0];
	_ =	sdelay $0x4  }
0xd0: {  	v63 =	vshll.u32 v3, $0x1  }
0xd1: {  	v3 =	vand.u32 $0x7, v3;
	v4 =	vand.u32 $0xFFFFFFF0, v63  }
0xd2: {  	v3 =	vor.u32 v3, v4  }
0xd3: {  	v4 =	vperm.xlane v3, v0;
	_ =	sdelay $0x1  }
0xd4: {  	v3 =	vperm.xlane v3, v2;
	v4 =	vadd.s32 v1, v4;
	_ =	sdelay $0x1  }
0xd5: {  	v3 =	vadd.s32 v1, v3  }
.Ltmp6:
0xd6: {  	_ = 	snop;
	(pc) =	sbr.rel .LBB2_6-.Ltmp6, $4  }
0xd7: {  	_ = 	snop  }
0xd8: {  	[tilespmem:s20], [sflag:$0x1] =	stream.indirect_vreg.gather [hbm4b:s2+s3], $0x80, v4, vm0, $0xb8;
	[tilespmem:$0xA400] =	vst v63  }
0xd9: {  	_ = 	snop  }
0xda: {  	[tilespmem:s21], [sflag:$0x1] =	stream.indirect_vreg.gather [hbm4b:s2+s3], $0x80, v3, vm0, $0xb8;
	[tilespmem:$0xA400] =	vst v63  }
.LBB2_8:
0xdb: {  	_ =	sfence.sel $0x180000  }
0xdc: {  	[bflag:$0x0] =	sbarrier.arrive $0xFFFF  }
0xdd: {  	_ =	strace $0x90000047  }
0xde: {  	s0 =	stileid.u32;
	[bflag:$0x2] =	sbarrier.arrive $0xFFFF  }
0xdf: {  	p0 =	sne.s32 s0, $0x0;
	s0 =	rddreg [dreg:$0x3]  }
0xe0: {  	s0 =	sadd.s32 @!p0 $0x100000, s0  }
0xe1: {  	[sflag:s0] =	ssyncadd.tile.s32 @!p0 $0x1;
	_ =	shalt  }
.Lfunc_end2:
_tile_overlayer_lowered:
.L_overlay_start_2:
0xe2: {  	(tag) =	ssettag $0x2  }
0xe3: {  	s0 =	rddreg [dreg:$0x0];
	s2 =	stileid.u32  }
0xe4: {  	s1 =	rddreg [dreg:$0x1];
	p0 =	sne.s32 s2, $0x0  }
0xe5: {  	s3 =	rddreg [dreg:$0x2];
	[bflag:$0x3] =	sbarrier.arrive $0xFFFF;
	s2 =	simm.s32 @!p0 $0x1C05  }
0xe6: {  	[timem:s3], [sflag:s2] =	dma.local @!p0 [hbm:s0], s1  }
0xe7: {  	s0 =	simm.s32 @!p0 $0x5  }
0xe8: {  	_ =	swait.ge @!p0 [sflag:s0], s1  }
0xe9: {  	s1 =	ssub.s32 @!p0 $0x0, s1;
	[sflag:s0] =	ssyncset.done @!p0 $0x0  }
0xea: {  	[sflag:s0] =	ssyncadd.s32 @!p0 s1  }
0xeb: {  	[bflag:$0x3] =	sbarrier.arrive $0xFFFF  }
0xec: {  	_ =	shalt  }

</sc_bundles>
